<compile_context>
chip_gen: v7x
topology: tpu7x:2x2x1
jax: 0.10.2.dev20260603
libtpu: 0.0.44.dev20260713+nightly
codegen_flags: <defaults>
</compile_context>

<pallas_src>
import functools

import jax
import jax.numpy as jnp
from jax import lax
from jax.experimental import pallas as pl
from jax.experimental.pallas import tpu as pltpu
from jax.experimental.pallas import tpu_sc as plsc

NUM_RELATIONS = 500
LANES = 16
NUM_CORES = 2
NUM_SUBCORES = 16
NUM_WORKERS = NUM_CORES * NUM_SUBCORES
WAVE = 128

_MESH = dict(core_axis_name="c", subcore_axis_name="s")


@functools.partial(jax.jit, static_argnames=("dim", "n_nodes"))
def _detile(ent_t, *, dim, n_nodes):
    tcols = (n_nodes + 127) // 128
    per_tile = (tcols + NUM_WORKERS - 1) // NUM_WORKERS + 2
    half = per_tile // 2
    out_rows = ((tcols * 128) // 2)
    row_w = 2 * dim
    mesh = plsc.VectorSubcoreMesh(**_MESH)

    @functools.partial(
        pl.kernel,
        out_type=jax.ShapeDtypeStruct((out_rows, row_w), jnp.float32),
        mesh=mesh,
        compiler_params=pltpu.CompilerParams(needs_layout_passes=False,
                                             disable_bounds_checks=True),
        scratch_types=[
            pltpu.VMEM((dim, 128), jnp.float32),
            pltpu.VMEM((dim, 128), jnp.float32),
            pltpu.VMEM((dim, row_w), jnp.float32),
            pltpu.VMEM((dim, row_w), jnp.float32),
            pltpu.SemaphoreType.DMA,
            pltpu.SemaphoreType.DMA,
            pltpu.SemaphoreType.DMA,
            pltpu.SemaphoreType.DMA,
        ],
    )
    def detiler(ent_hbm, out_hbm, slab_a, slab_b, blk_a, blk_b,
                sem_a, sem_b, sem_oa, sem_ob):
        wid = lax.axis_index("s") * NUM_CORES + lax.axis_index("c")
        span = 2 * half
        t_lo = jnp.minimum(wid * span, tcols - span)

        iota = lax.iota(jnp.int32, LANES)
        drows = [(k * LANES + iota) % dim for k in range(row_w // LANES)]
        zeros16 = jnp.zeros((LANES,), jnp.int32)

        def start_in(t, slab, sem):
            src = ent_hbm.at[:, pl.ds(pl.multiple_of(t * 128, 128), 128)]
            pltpu.async_copy(src, slab, sem)

        def drain(dst, sem):
            pltpu.make_async_copy(ent_hbm.at[:, pl.ds(0, 128)], dst,
                                  sem).wait()

        def transpose(slab, blk):
            def per_row(r, carry):
                r2 = r * 2
                for k in range(row_w // LANES):
                    lvec = zeros16 + (r2 + (k * LANES) // dim)
                    v = plsc.load_gather(slab, [drows[k], lvec])
                    blk[r, pl.ds(k * LANES, LANES)] = v
                return carry
            lax.fori_loop(0, dim, per_row, 0)

        start_in(t_lo, slab_a, sem_a)
        start_in(t_lo + half, slab_b, sem_b)

        def body(u, carry):
            for (slab, blk, sem_in, sem_out, off) in (
                    (slab_a, blk_a, sem_a, sem_oa, 0),
                    (slab_b, blk_b, sem_b, sem_ob, half)):
                t = t_lo + off + u
                drain(slab, sem_in)

                @pl.when(u > 0)
                def _():
                    drain(blk, sem_out)

                transpose(slab, blk)
                pltpu.async_copy(
                    blk, out_hbm.at[pl.ds(t * (row_w // 2), dim)], sem_out)

                @pl.when(u + 1 < half)
                def _():
                    start_in(t + 1, slab, sem_in)
            return carry

        lax.fori_loop(0, half, body, 0)
        drain(blk_a, sem_oa)
        drain(blk_b, sem_ob)

    return detiler(ent_t)


@functools.partial(jax.jit, static_argnames=("batch", "dim"))
def _score(s_idx, o_idx, t_idx, ent2, rel2, *, batch, dim):
    b_per_w = batch // NUM_WORKERS
    n_waves = b_per_w // WAVE
    row_w = 2 * dim
    mesh = plsc.VectorSubcoreMesh(**_MESH)

    @functools.partial(
        pl.kernel,
        out_type=jax.ShapeDtypeStruct((batch,), jnp.float32),
        mesh=mesh,
        compiler_params=pltpu.CompilerParams(needs_layout_passes=False),
        scratch_types=[
            pltpu.VMEM((b_per_w,), jnp.int32),
            pltpu.VMEM((b_per_w,), jnp.int32),
            pltpu.VMEM((b_per_w,), jnp.int32),
            pltpu.VMEM((WAVE * 2 * dim,), jnp.float32),
            pltpu.VMEM((WAVE * 2 * dim,), jnp.float32),
            pltpu.VMEM((WAVE * 2 * dim,), jnp.float32),
            pltpu.VMEM((LANES * b_per_w,), jnp.float32),
            pltpu.VMEM((b_per_w,), jnp.float32),
            pltpu.SemaphoreType.DMA,
        ],
    )
    def scorer(sidx_hbm, oidx_hbm, tidx_hbm, ent_hbm, rel_hbm, out_hbm,
               sidx_v, oidx_v, ridx_v, srows, orows, rrows, part_t, out_v,
               sem):
        wid = lax.axis_index("s") * NUM_CORES + lax.axis_index("c")
        base = wid * b_per_w

        pltpu.sync_copy(sidx_hbm.at[pl.ds(base, b_per_w)], sidx_v)
        pltpu.sync_copy(oidx_hbm.at[pl.ds(base, b_per_w)], oidx_v)
        pltpu.sync_copy(tidx_hbm.at[pl.ds(base, b_per_w)], ridx_v)

        for k in range(b_per_w // LANES):
            sl = pl.ds(k * LANES, LANES)
            ridx_v[sl] = lax.rem(ridx_v[sl],
                                 jnp.full((LANES,), NUM_RELATIONS, jnp.int32))

        lane_rows = lax.iota(jnp.int32, LANES) * b_per_w

        def fetch_group(g, w0):
            svec = sidx_v[pl.ds(w0 + g * LANES, LANES)]
            ovec = oidx_v[pl.ds(w0 + g * LANES, LANES)]
            rvec = ridx_v[pl.ds(w0 + g * LANES, LANES)]
            for l in range(LANES):
                i = g * LANES + l
                pltpu.async_copy(ent_hbm.at[svec[l] >> 1],
                                 srows.at[pl.ds(i * row_w, row_w)], sem)
                pltpu.async_copy(ent_hbm.at[ovec[l] >> 1],
                                 orows.at[pl.ds(i * row_w, row_w)], sem)
                pltpu.async_copy(rel_hbm.at[rvec[l] >> 1],
                                 rrows.at[pl.ds(i * row_w, row_w)], sem)
            return w0

        def drain_one(i, w0):
            for buf in (srows, orows, rrows):
                pltpu.make_async_copy(ent_hbm.at[0],
                                      buf.at[pl.ds(i * row_w, row_w)],
                                      sem).wait()
            return w0

        def compute_group(g, w0):
            svec = sidx_v[pl.ds(w0 + g * LANES, LANES)]
            ovec = oidx_v[pl.ds(w0 + g * LANES, LANES)]
            rvec = ridx_v[pl.ds(w0 + g * LANES, LANES)]
            for l in range(LANES):
                i = g * LANES + l
                soff = i * row_w + (svec[l] & 1) * dim
                ooff = i * row_w + (ovec[l] & 1) * dim
                roff = i * row_w + (rvec[l] & 1) * dim
                acc = jnp.zeros((LANES,), jnp.float32)
                for q in range(dim // LANES):
                    acc = acc + (srows[pl.ds(soff + q * LANES, LANES)] *
                                 rrows[pl.ds(roff + q * LANES, LANES)] *
                                 orows[pl.ds(ooff + q * LANES, LANES)])
                plsc.store_scatter(part_t, [lane_rows + w0 + i], acc)
            return w0

        for w in range(n_waves):
            lax.fori_loop(0, WAVE // LANES, fetch_group, w * WAVE)
            lax.fori_loop(0, WAVE, drain_one, w * WAVE)
            lax.fori_loop(0, WAVE // LANES, compute_group, w * WAVE)

        for g in range(b_per_w // LANES):
            sl = pl.ds(g * LANES, LANES)
            acc = part_t[pl.ds(g * LANES, LANES)]
            for j in range(1, LANES):
                acc = acc + part_t[pl.ds(j * b_per_w + g * LANES, LANES)]
            out_v[sl] = acc

        pltpu.sync_copy(out_v, out_hbm.at[pl.ds(base, b_per_w)])

    return scorer(s_idx, o_idx, t_idx, ent2, rel2)


def kernel(triples, entity_table, rel_table):
    s_idx = triples[:, 0].astype(jnp.int32)
    o_idx = triples[:, 1].astype(jnp.int32)
    t_idx = triples[:, 2].astype(jnp.int32)
    n_nodes, dim = entity_table.shape
    ent2 = _detile(entity_table.T, dim=dim, n_nodes=n_nodes)
    rel2 = rel_table.reshape(rel_table.shape[0] // 2, 2 * dim)
    return _score(s_idx, o_idx, t_idx, ent2, rel2,
                  batch=triples.shape[0], dim=dim)

# --- scband reference (transcript-rebuilt; emitter-appended) ---
"""Pipeline reference for scband-base-embedding-model-36369783063042 (READ-ONLY COPY).

The authoritative reference and input builder live on the scoring server;
editing this copy changes nothing except your own understanding.
"""

import jax, jax.numpy as jnp
import numpy as np

NUM_NODES = 1000000
EMBED_DIM = 64
NUM_RELATIONS = 500
BATCH = 16384

def setup_inputs(seed: int = 0) -> dict:
    key = jax.random.key(seed)
    k1, k2, k3 = jax.random.split(key, 3)
    triples = jax.random.randint(k1, (BATCH, 3), 0, NUM_NODES, dtype=jnp.int64 if jax.config.jax_enable_x64 else jnp.int32).astype(jnp.int32)
    # xavier_normal-ish init for entity embedding table
    std = float(np.sqrt(2.0 / (NUM_NODES + EMBED_DIM)))
    entity_table = jax.random.normal(k2, (NUM_NODES, EMBED_DIM), dtype=jnp.float32) * std
    rel_table = jax.random.normal(k3, (NUM_RELATIONS, EMBED_DIM), dtype=jnp.float32) * 0.1
    return {"triples": triples, "entity_table": entity_table, "rel_table": rel_table}

def reference(triples, entity_table, rel_table):
    # subject/object embedding lookups (gathers)
    subject_embeddings = jnp.take(entity_table, triples[:, 0], axis=0)
    object_embeddings = jnp.take(entity_table, triples[:, 1], axis=0)
    # decoder: DistMult scoring over relation ids (triples[:, 2] mapped into relation vocab)
    rel_ids = jnp.mod(triples[:, 2], NUM_RELATIONS)
    relation_embeddings = jnp.take(rel_table, rel_ids, axis=0)
    scores = jnp.sum(subject_embeddings * relation_embeddings * object_embeddings, axis=-1)
    return scores

if __name__ == "__main__":
    import jax
    _d = setup_inputs()
    print(jax.jit(kernel)(*tuple(_d.values())))

</pallas_src>

<mosaic_0001>
#map = affine_map<(d0, d1) -> (0, 0)>
module attributes {stable_mosaic.version = 14 : i64} {
  func.func @detiler(%arg0: i32, %arg1: i32, %arg2: memref<64x1000000xf32, #tpu.memory_space<hbm>>, %arg3: memref<500032x128xf32, #tpu.memory_space<hbm>>, %arg4: memref<64x128xf32, #tpu.memory_space<vmem>>, %arg5: memref<64x128xf32, #tpu.memory_space<vmem>>, %arg6: memref<64x128xf32, #tpu.memory_space<vmem>>, %arg7: memref<64x128xf32, #tpu.memory_space<vmem>>, %arg8: memref<!tpu.dma_semaphore, #tpu.memory_space<semaphore_mem>>, %arg9: memref<!tpu.dma_semaphore, #tpu.memory_space<semaphore_mem>>, %arg10: memref<!tpu.dma_semaphore, #tpu.memory_space<semaphore_mem>>, %arg11: memref<!tpu.dma_semaphore, #tpu.memory_space<semaphore_mem>>) attributes {dimension_semantics = [#tpu.dimension_semantics<core_parallel>, #tpu.dimension_semantics<subcore_parallel>], iteration_bounds = array<i64: 2, 16>, scalar_prefetch = 0 : i64, scratch_operands = 8 : i64, tpu.core_type = #tpu.core_type<sc_vector_subcore>, window_params = [{transform_indices = #map}, {transform_indices = #map}]} {
    %mul3A = arith.constant 2 : i32
    %mul3A_0 = arith.muli %arg1, %mul3A : i32
    %add3A = arith.addi %mul3A_0, %arg0 : i32
    %mul3A_1 = arith.constant 246 : i32
    %mul3A_2 = arith.muli %add3A, %mul3A_1 : i32
    %min3A = arith.constant 7567 : i32
    %min3A_3 = arith.minsi %mul3A_2, %min3A : i32
    %iota3A = tpu.iota {dimensions = array<i32: 0>} : vector<16xi32>
    %add3A_4 = arith.constant 0 : i32
    %add3A_5 = vector.broadcast %add3A_4 : i32 to vector<16xi32>
    %add3A_6 = arith.addi %add3A_5, %iota3A : vector<16xi32>
    %jit3A = arith.constant 64 : i32
    %eq3A = arith.constant 0 : i32
    %eq3A_7 = arith.cmpi eq, %jit3A, %eq3A : i32
    %jit3A_8 = arith.constant 1 : i32
    %select_n3A = arith.select %eq3A_7, %jit3A_8, %jit3A : i32
    %rem3A = vector.broadcast %select_n3A : i32 to vector<16xi32>
    %rem3A_9 = arith.remsi %add3A_6, %rem3A : vector<16xi32>
    %ne3A = arith.constant 0 : i32
    %ne3A_10 = vector.broadcast %ne3A : i32 to vector<16xi32>
    %ne3A_11 = arith.cmpi ne, %rem3A_9, %ne3A_10 : vector<16xi32>
    %lt3A = arith.constant 0 : i32
    %lt3A_12 = vector.broadcast %lt3A : i32 to vector<16xi32>
    %lt3A_13 = arith.cmpi slt, %rem3A_9, %lt3A_12 : vector<16xi32>
    %lt3A_14 = arith.constant 0 : i32
    %lt3A_15 = arith.cmpi slt, %select_n3A, %lt3A_14 : i32
    %ne3A_16 = vector.broadcast %lt3A_15 : i1 to vector<16xi1>
    %ne3A_17 = vector.broadcast %ne3A_16 : vector<16xi1> to vector<16xi1>
    %ne3A_18 = arith.xori %lt3A_13, %ne3A_17 : vector<16xi1>
    %and3A = arith.andi %ne3A_18, %ne3A_11 : vector<16xi1>
    %add3A_19 = vector.broadcast %select_n3A : i32 to vector<16xi32>
    %add3A_20 = arith.addi %rem3A_9, %add3A_19 : vector<16xi32>
    %select_n3A_21 = arith.select %and3A, %add3A_20, %rem3A_9 : vector<16xi1>, vector<16xi32>
    %add3A_22 = arith.constant 16 : i32
    %add3A_23 = vector.broadcast %add3A_22 : i32 to vector<16xi32>
    %add3A_24 = arith.addi %add3A_23, %iota3A : vector<16xi32>
    %jit3A_25 = arith.constant 64 : i32
    %eq3A_26 = arith.constant 0 : i32
    %eq3A_27 = arith.cmpi eq, %jit3A_25, %eq3A_26 : i32
    %jit3A_28 = arith.constant 1 : i32
    %select_n3A_29 = arith.select %eq3A_27, %jit3A_28, %jit3A_25 : i32
    %rem3A_30 = vector.broadcast %select_n3A_29 : i32 to vector<16xi32>
    %rem3A_31 = arith.remsi %add3A_24, %rem3A_30 : vector<16xi32>
    %ne3A_32 = arith.constant 0 : i32
    %ne3A_33 = vector.broadcast %ne3A_32 : i32 to vector<16xi32>
    %ne3A_34 = arith.cmpi ne, %rem3A_31, %ne3A_33 : vector<16xi32>
    %lt3A_35 = arith.constant 0 : i32
    %lt3A_36 = vector.broadcast %lt3A_35 : i32 to vector<16xi32>
    %lt3A_37 = arith.cmpi slt, %rem3A_31, %lt3A_36 : vector<16xi32>
    %lt3A_38 = arith.constant 0 : i32
    %lt3A_39 = arith.cmpi slt, %select_n3A_29, %lt3A_38 : i32
    %ne3A_40 = vector.broadcast %lt3A_39 : i1 to vector<16xi1>
    %ne3A_41 = vector.broadcast %ne3A_40 : vector<16xi1> to vector<16xi1>
    %ne3A_42 = arith.xori %lt3A_37, %ne3A_41 : vector<16xi1>
    %and3A_43 = arith.andi %ne3A_42, %ne3A_34 : vector<16xi1>
    %add3A_44 = vector.broadcast %select_n3A_29 : i32 to vector<16xi32>
    %add3A_45 = arith.addi %rem3A_31, %add3A_44 : vector<16xi32>
    %select_n3A_46 = arith.select %and3A_43, %add3A_45, %rem3A_31 : vector<16xi1>, vector<16xi32>
    %add3A_47 = arith.constant 32 : i32
    %add3A_48 = vector.broadcast %add3A_47 : i32 to vector<16xi32>
    %add3A_49 = arith.addi %add3A_48, %iota3A : vector<16xi32>
    %jit3A_50 = arith.constant 64 : i32
    %eq3A_51 = arith.constant 0 : i32
    %eq3A_52 = arith.cmpi eq, %jit3A_50, %eq3A_51 : i32
    %jit3A_53 = arith.constant 1 : i32
    %select_n3A_54 = arith.select %eq3A_52, %jit3A_53, %jit3A_50 : i32
    %rem3A_55 = vector.broadcast %select_n3A_54 : i32 to vector<16xi32>
    %rem3A_56 = arith.remsi %add3A_49, %rem3A_55 : vector<16xi32>
    %ne3A_57 = arith.constant 0 : i32
    %ne3A_58 = vector.broadcast %ne3A_57 : i32 to vector<16xi32>
    %ne3A_59 = arith.cmpi ne, %rem3A_56, %ne3A_58 : vector<16xi32>
    %lt3A_60 = arith.constant 0 : i32
    %lt3A_61 = vector.broadcast %lt3A_60 : i32 to vector<16xi32>
    %lt3A_62 = arith.cmpi slt, %rem3A_56, %lt3A_61 : vector<16xi32>
    %lt3A_63 = arith.constant 0 : i32
    %lt3A_64 = arith.cmpi slt, %select_n3A_54, %lt3A_63 : i32
    %ne3A_65 = vector.broadcast %lt3A_64 : i1 to vector<16xi1>
    %ne3A_66 = vector.broadcast %ne3A_65 : vector<16xi1> to vector<16xi1>
    %ne3A_67 = arith.xori %lt3A_62, %ne3A_66 : vector<16xi1>
    %and3A_68 = arith.andi %ne3A_67, %ne3A_59 : vector<16xi1>
    %add3A_69 = vector.broadcast %select_n3A_54 : i32 to vector<16xi32>
    %add3A_70 = arith.addi %rem3A_56, %add3A_69 : vector<16xi32>
    %select_n3A_71 = arith.select %and3A_68, %add3A_70, %rem3A_56 : vector<16xi1>, vector<16xi32>
    %add3A_72 = arith.constant 48 : i32
    %add3A_73 = vector.broadcast %add3A_72 : i32 to vector<16xi32>
    %add3A_74 = arith.addi %add3A_73, %iota3A : vector<16xi32>
    %jit3A_75 = arith.constant 64 : i32
    %eq3A_76 = arith.constant 0 : i32
    %eq3A_77 = arith.cmpi eq, %jit3A_75, %eq3A_76 : i32
    %jit3A_78 = arith.constant 1 : i32
    %select_n3A_79 = arith.select %eq3A_77, %jit3A_78, %jit3A_75 : i32
    %rem3A_80 = vector.broadcast %select_n3A_79 : i32 to vector<16xi32>
    %rem3A_81 = arith.remsi %add3A_74, %rem3A_80 : vector<16xi32>
    %ne3A_82 = arith.constant 0 : i32
    %ne3A_83 = vector.broadcast %ne3A_82 : i32 to vector<16xi32>
    %ne3A_84 = arith.cmpi ne, %rem3A_81, %ne3A_83 : vector<16xi32>
    %lt3A_85 = arith.constant 0 : i32
    %lt3A_86 = vector.broadcast %lt3A_85 : i32 to vector<16xi32>
    %lt3A_87 = arith.cmpi slt, %rem3A_81, %lt3A_86 : vector<16xi32>
    %lt3A_88 = arith.constant 0 : i32
    %lt3A_89 = arith.cmpi slt, %select_n3A_79, %lt3A_88 : i32
    %ne3A_90 = vector.broadcast %lt3A_89 : i1 to vector<16xi1>
    %ne3A_91 = vector.broadcast %ne3A_90 : vector<16xi1> to vector<16xi1>
    %ne3A_92 = arith.xori %lt3A_87, %ne3A_91 : vector<16xi1>
    %and3A_93 = arith.andi %ne3A_92, %ne3A_84 : vector<16xi1>
    %add3A_94 = vector.broadcast %select_n3A_79 : i32 to vector<16xi32>
    %add3A_95 = arith.addi %rem3A_81, %add3A_94 : vector<16xi32>
    %select_n3A_96 = arith.select %and3A_93, %add3A_95, %rem3A_81 : vector<16xi1>, vector<16xi32>
    %add3A_97 = arith.constant 64 : i32
    %add3A_98 = vector.broadcast %add3A_97 : i32 to vector<16xi32>
    %add3A_99 = arith.addi %add3A_98, %iota3A : vector<16xi32>
    %jit3A_100 = arith.constant 64 : i32
    %eq3A_101 = arith.constant 0 : i32
    %eq3A_102 = arith.cmpi eq, %jit3A_100, %eq3A_101 : i32
    %jit3A_103 = arith.constant 1 : i32
    %select_n3A_104 = arith.select %eq3A_102, %jit3A_103, %jit3A_100 : i32
    %rem3A_105 = vector.broadcast %select_n3A_104 : i32 to vector<16xi32>
    %rem3A_106 = arith.remsi %add3A_99, %rem3A_105 : vector<16xi32>
    %ne3A_107 = arith.constant 0 : i32
    %ne3A_108 = vector.broadcast %ne3A_107 : i32 to vector<16xi32>
    %ne3A_109 = arith.cmpi ne, %rem3A_106, %ne3A_108 : vector<16xi32>
    %lt3A_110 = arith.constant 0 : i32
    %lt3A_111 = vector.broadcast %lt3A_110 : i32 to vector<16xi32>
    %lt3A_112 = arith.cmpi slt, %rem3A_106, %lt3A_111 : vector<16xi32>
    %lt3A_113 = arith.constant 0 : i32
    %lt3A_114 = arith.cmpi slt, %select_n3A_104, %lt3A_113 : i32
    %ne3A_115 = vector.broadcast %lt3A_114 : i1 to vector<16xi1>
    %ne3A_116 = vector.broadcast %ne3A_115 : vector<16xi1> to vector<16xi1>
    %ne3A_117 = arith.xori %lt3A_112, %ne3A_116 : vector<16xi1>
    %and3A_118 = arith.andi %ne3A_117, %ne3A_109 : vector<16xi1>
    %add3A_119 = vector.broadcast %select_n3A_104 : i32 to vector<16xi32>
    %add3A_120 = arith.addi %rem3A_106, %add3A_119 : vector<16xi32>
    %select_n3A_121 = arith.select %and3A_118, %add3A_120, %rem3A_106 : vector<16xi1>, vector<16xi32>
    %add3A_122 = arith.constant 80 : i32
    %add3A_123 = vector.broadcast %add3A_122 : i32 to vector<16xi32>
    %add3A_124 = arith.addi %add3A_123, %iota3A : vector<16xi32>
    %jit3A_125 = arith.constant 64 : i32
    %eq3A_126 = arith.constant 0 : i32
    %eq3A_127 = arith.cmpi eq, %jit3A_125, %eq3A_126 : i32
    %jit3A_128 = arith.constant 1 : i32
    %select_n3A_129 = arith.select %eq3A_127, %jit3A_128, %jit3A_125 : i32
    %rem3A_130 = vector.broadcast %select_n3A_129 : i32 to vector<16xi32>
    %rem3A_131 = arith.remsi %add3A_124, %rem3A_130 : vector<16xi32>
    %ne3A_132 = arith.constant 0 : i32
    %ne3A_133 = vector.broadcast %ne3A_132 : i32 to vector<16xi32>
    %ne3A_134 = arith.cmpi ne, %rem3A_131, %ne3A_133 : vector<16xi32>
    %lt3A_135 = arith.constant 0 : i32
    %lt3A_136 = vector.broadcast %lt3A_135 : i32 to vector<16xi32>
    %lt3A_137 = arith.cmpi slt, %rem3A_131, %lt3A_136 : vector<16xi32>
    %lt3A_138 = arith.constant 0 : i32
    %lt3A_139 = arith.cmpi slt, %select_n3A_129, %lt3A_138 : i32
    %ne3A_140 = vector.broadcast %lt3A_139 : i1 to vector<16xi1>
    %ne3A_141 = vector.broadcast %ne3A_140 : vector<16xi1> to vector<16xi1>
    %ne3A_142 = arith.xori %lt3A_137, %ne3A_141 : vector<16xi1>
    %and3A_143 = arith.andi %ne3A_142, %ne3A_134 : vector<16xi1>
    %add3A_144 = vector.broadcast %select_n3A_129 : i32 to vector<16xi32>
    %add3A_145 = arith.addi %rem3A_131, %add3A_144 : vector<16xi32>
    %select_n3A_146 = arith.select %and3A_143, %add3A_145, %rem3A_131 : vector<16xi1>, vector<16xi32>
    %add3A_147 = arith.constant 96 : i32
    %add3A_148 = vector.broadcast %add3A_147 : i32 to vector<16xi32>
    %add3A_149 = arith.addi %add3A_148, %iota3A : vector<16xi32>
    %jit3A_150 = arith.constant 64 : i32
    %eq3A_151 = arith.constant 0 : i32
    %eq3A_152 = arith.cmpi eq, %jit3A_150, %eq3A_151 : i32
    %jit3A_153 = arith.constant 1 : i32
    %select_n3A_154 = arith.select %eq3A_152, %jit3A_153, %jit3A_150 : i32
    %rem3A_155 = vector.broadcast %select_n3A_154 : i32 to vector<16xi32>
    %rem3A_156 = arith.remsi %add3A_149, %rem3A_155 : vector<16xi32>
    %ne3A_157 = arith.constant 0 : i32
    %ne3A_158 = vector.broadcast %ne3A_157 : i32 to vector<16xi32>
    %ne3A_159 = arith.cmpi ne, %rem3A_156, %ne3A_158 : vector<16xi32>
    %lt3A_160 = arith.constant 0 : i32
    %lt3A_161 = vector.broadcast %lt3A_160 : i32 to vector<16xi32>
    %lt3A_162 = arith.cmpi slt, %rem3A_156, %lt3A_161 : vector<16xi32>
    %lt3A_163 = arith.constant 0 : i32
    %lt3A_164 = arith.cmpi slt, %select_n3A_154, %lt3A_163 : i32
    %ne3A_165 = vector.broadcast %lt3A_164 : i1 to vector<16xi1>
    %ne3A_166 = vector.broadcast %ne3A_165 : vector<16xi1> to vector<16xi1>
    %ne3A_167 = arith.xori %lt3A_162, %ne3A_166 : vector<16xi1>
    %and3A_168 = arith.andi %ne3A_167, %ne3A_159 : vector<16xi1>
    %add3A_169 = vector.broadcast %select_n3A_154 : i32 to vector<16xi32>
    %add3A_170 = arith.addi %rem3A_156, %add3A_169 : vector<16xi32>
    %select_n3A_171 = arith.select %and3A_168, %add3A_170, %rem3A_156 : vector<16xi1>, vector<16xi32>
    %add3A_172 = arith.constant 112 : i32
    %add3A_173 = vector.broadcast %add3A_172 : i32 to vector<16xi32>
    %add3A_174 = arith.addi %add3A_173, %iota3A : vector<16xi32>
    %jit3A_175 = arith.constant 64 : i32
    %eq3A_176 = arith.constant 0 : i32
    %eq3A_177 = arith.cmpi eq, %jit3A_175, %eq3A_176 : i32
    %jit3A_178 = arith.constant 1 : i32
    %select_n3A_179 = arith.select %eq3A_177, %jit3A_178, %jit3A_175 : i32
    %rem3A_180 = vector.broadcast %select_n3A_179 : i32 to vector<16xi32>
    %rem3A_181 = arith.remsi %add3A_174, %rem3A_180 : vector<16xi32>
    %ne3A_182 = arith.constant 0 : i32
    %ne3A_183 = vector.broadcast %ne3A_182 : i32 to vector<16xi32>
    %ne3A_184 = arith.cmpi ne, %rem3A_181, %ne3A_183 : vector<16xi32>
    %lt3A_185 = arith.constant 0 : i32
    %lt3A_186 = vector.broadcast %lt3A_185 : i32 to vector<16xi32>
    %lt3A_187 = arith.cmpi slt, %rem3A_181, %lt3A_186 : vector<16xi32>
    %lt3A_188 = arith.constant 0 : i32
    %lt3A_189 = arith.cmpi slt, %select_n3A_179, %lt3A_188 : i32
    %ne3A_190 = vector.broadcast %lt3A_189 : i1 to vector<16xi1>
    %ne3A_191 = vector.broadcast %ne3A_190 : vector<16xi1> to vector<16xi1>
    %ne3A_192 = arith.xori %lt3A_187, %ne3A_191 : vector<16xi1>
    %and3A_193 = arith.andi %ne3A_192, %ne3A_184 : vector<16xi1>
    %add3A_194 = vector.broadcast %select_n3A_179 : i32 to vector<16xi32>
    %add3A_195 = arith.addi %rem3A_181, %add3A_194 : vector<16xi32>
    %select_n3A_196 = arith.select %and3A_193, %add3A_195, %rem3A_181 : vector<16xi1>, vector<16xi32>
    %broadcast_in_dim3A = arith.constant 0 : i32
    %broadcast_in_dim3A_197 = vector.broadcast %broadcast_in_dim3A : i32 to vector<16xi32>
    %mul3A_198 = arith.constant 128 : i32
    %mul3A_199 = arith.muli %min3A_3, %mul3A_198 : i32
    %multiple_of3A = tpu.assume_multiple %mul3A_199, 128 : i32
    %dma_start3A = arith.constant 0 : i32
    %dma_start3A_200 = tpu.memref_slice %arg2[%dma_start3A, %multiple_of3A] : memref<64x1000000xf32, #tpu.memory_space<hbm>> -> memref<64x128xf32, #tpu.memory_space<hbm>>
    %dma_start3A_201 = arith.constant 0 : i32
    %dma_start3A_202 = tpu.memref_slice %arg2[%dma_start3A_201, %multiple_of3A] : memref<64x1000000xf32, #tpu.memory_space<hbm>> -> memref<64x128xf32, #tpu.memory_space<hbm>>
    tpu.enqueue_dma source(%dma_start3A_202 : memref<64x128xf32, #tpu.memory_space<hbm>>) target(%arg4 : memref<64x128xf32, #tpu.memory_space<vmem>>) target_semaphore(%arg8 : memref<!tpu.dma_semaphore, #tpu.memory_space<semaphore_mem>>)
    %add3A_203 = arith.constant 123 : i32
    %add3A_204 = arith.addi %min3A_3, %add3A_203 : i32
    %mul3A_205 = arith.constant 128 : i32
    %mul3A_206 = arith.muli %add3A_204, %mul3A_205 : i32
    %multiple_of3A_207 = tpu.assume_multiple %mul3A_206, 128 : i32
    %dma_start3A_208 = arith.constant 0 : i32
    %dma_start3A_209 = tpu.memref_slice %arg2[%dma_start3A_208, %multiple_of3A_207] : memref<64x1000000xf32, #tpu.memory_space<hbm>> -> memref<64x128xf32, #tpu.memory_space<hbm>>
    %dma_start3A_210 = arith.constant 0 : i32
    %dma_start3A_211 = tpu.memref_slice %arg2[%dma_start3A_210, %multiple_of3A_207] : memref<64x1000000xf32, #tpu.memory_space<hbm>> -> memref<64x128xf32, #tpu.memory_space<hbm>>
    tpu.enqueue_dma source(%dma_start3A_211 : memref<64x128xf32, #tpu.memory_space<hbm>>) target(%arg5 : memref<64x128xf32, #tpu.memory_space<vmem>>) target_semaphore(%arg9 : memref<!tpu.dma_semaphore, #tpu.memory_space<semaphore_mem>>)
    %scan3A = arith.constant 0 : i32
    %scan3A_212 = arith.constant 0 : i32
    %scan3A_213 = arith.constant 123 : i32
    %scan3A_214 = arith.addi %scan3A_212, %scan3A_213 : i32
    %scan3A_215 = arith.constant 1 : i32
    scf.for %scan3A_228 = %scan3A_212 to %scan3A_214 step %scan3A_215  : i32 {
      %add3A_229 = arith.constant 0 : i32
      %add3A_230 = arith.addi %min3A_3, %add3A_229 : i32
      %add3A_231 = arith.addi %add3A_230, %scan3A_228 : i32
      %dma_wait3A_232 = arith.constant 0 : i32
      %dma_wait3A_233 = arith.constant 0 : i32
      %dma_wait3A_234 = tpu.memref_slice %arg2[%dma_wait3A_232, %dma_wait3A_233] : memref<64x1000000xf32, #tpu.memory_space<hbm>> -> memref<64x128xf32, #tpu.memory_space<hbm>>
      %dma_wait3A_235 = arith.constant 0 : i32
      %dma_wait3A_236 = arith.constant 0 : i32
      %dma_wait3A_237 = tpu.memref_slice %arg2[%dma_wait3A_235, %dma_wait3A_236] : memref<64x1000000xf32, #tpu.memory_space<hbm>> -> memref<64x128xf32, #tpu.memory_space<hbm>>
      tpu.wait_dma2 semaphore(%arg8 : memref<!tpu.dma_semaphore, #tpu.memory_space<semaphore_mem>>) src(%dma_wait3A_237 : memref<64x128xf32, #tpu.memory_space<hbm>>) dst(%arg4 : memref<64x128xf32, #tpu.memory_space<vmem>>)
      %gt3A = arith.constant 0 : i32
      %gt3A_238 = arith.cmpi sgt, %scan3A_228, %gt3A : i32
      %convert_element_type3A = arith.extui %gt3A_238 : i1 to i32
      %cond3A = arith.constant 0 : i32
      %cond3A_239 = arith.cmpi ne, %convert_element_type3A, %cond3A : i32
      scf.if %cond3A_239 {
        %dma_wait3A_292 = arith.constant 0 : i32
        %dma_wait3A_293 = arith.constant 0 : i32
        %dma_wait3A_294 = tpu.memref_slice %arg2[%dma_wait3A_292, %dma_wait3A_293] : memref<64x1000000xf32, #tpu.memory_space<hbm>> -> memref<64x128xf32, #tpu.memory_space<hbm>>
        %dma_wait3A_295 = arith.constant 0 : i32
        %dma_wait3A_296 = arith.constant 0 : i32
        %dma_wait3A_297 = tpu.memref_slice %arg2[%dma_wait3A_295, %dma_wait3A_296] : memref<64x1000000xf32, #tpu.memory_space<hbm>> -> memref<64x128xf32, #tpu.memory_space<hbm>>
        tpu.wait_dma2 semaphore(%arg10 : memref<!tpu.dma_semaphore, #tpu.memory_space<semaphore_mem>>) src(%dma_wait3A_297 : memref<64x128xf32, #tpu.memory_space<hbm>>) dst(%arg6 : memref<64x128xf32, #tpu.memory_space<vmem>>)
      } else {
      }
      %scan3A_240 = arith.constant 0 : i32
      %scan3A_241 = arith.constant 0 : i32
      %scan3A_242 = arith.constant 64 : i32
      %scan3A_243 = arith.addi %scan3A_241, %scan3A_242 : i32
      %scan3A_244 = arith.constant 1 : i32
      scf.for %scan3A_292 = %scan3A_241 to %scan3A_243 step %scan3A_244  : i32 {
        %mul3A_293 = arith.constant 2 : i32
        %mul3A_294 = arith.muli %scan3A_292, %mul3A_293 : i32
        %add3A_295 = arith.constant 0 : i32
        %add3A_296 = arith.addi %mul3A_294, %add3A_295 : i32
        %add3A_297 = vector.broadcast %add3A_296 : i32 to vector<16xi32>
        %add3A_298 = arith.addi %broadcast_in_dim3A_197, %add3A_297 : vector<16xi32>
        %gather3A = tpu.vector_load_idx %arg4[%select_n3A_21, %add3A_298] : memref<64x128xf32, #tpu.memory_space<vmem>>[vector<16xi32>, vector<16xi32>], vector<16xf32>,
        %swap3A = arith.index_cast %scan3A_292 : i32 to index
        %swap3A_299 = arith.constant 0 : index
        %swap3A_300 = tpu.vector_load %arg6[%swap3A, %swap3A_299] {strides = array<i32>} : memref<64x128xf32, #tpu.memory_space<vmem>>, vector<16xf32>,
        tpu.vector_store %arg6[%swap3A, %swap3A_299], %gather3A {strides = array<i32>} : memref<64x128xf32, #tpu.memory_space<vmem>>, vector<16xf32>,
        %add3A_301 = arith.constant 0 : i32
        %add3A_302 = arith.addi %mul3A_294, %add3A_301 : i32
        %add3A_303 = vector.broadcast %add3A_302 : i32 to vector<16xi32>
        %add3A_304 = arith.addi %broadcast_in_dim3A_197, %add3A_303 : vector<16xi32>
        %gather3A_305 = tpu.vector_load_idx %arg4[%select_n3A_46, %add3A_304] : memref<64x128xf32, #tpu.memory_space<vmem>>[vector<16xi32>, vector<16xi32>], vector<16xf32>,
        %swap3A_306 = arith.index_cast %scan3A_292 : i32 to index
        %swap3A_307 = arith.constant 16 : index
        %swap3A_308 = tpu.vector_load %arg6[%swap3A_306, %swap3A_307] {strides = array<i32>} : memref<64x128xf32, #tpu.memory_space<vmem>>, vector<16xf32>,
        tpu.vector_store %arg6[%swap3A_306, %swap3A_307], %gather3A_305 {strides = array<i32>} : memref<64x128xf32, #tpu.memory_space<vmem>>, vector<16xf32>,
        %add3A_309 = arith.constant 0 : i32
        %add3A_310 = arith.addi %mul3A_294, %add3A_309 : i32
        %add3A_311 = vector.broadcast %add3A_310 : i32 to vector<16xi32>
        %add3A_312 = arith.addi %broadcast_in_dim3A_197, %add3A_311 : vector<16xi32>
        %gather3A_313 = tpu.vector_load_idx %arg4[%select_n3A_71, %add3A_312] : memref<64x128xf32, #tpu.memory_space<vmem>>[vector<16xi32>, vector<16xi32>], vector<16xf32>,
        %swap3A_314 = arith.index_cast %scan3A_292 : i32 to index
        %swap3A_315 = arith.constant 32 : index
        %swap3A_316 = tpu.vector_load %arg6[%swap3A_314, %swap3A_315] {strides = array<i32>} : memref<64x128xf32, #tpu.memory_space<vmem>>, vector<16xf32>,
        tpu.vector_store %arg6[%swap3A_314, %swap3A_315], %gather3A_313 {strides = array<i32>} : memref<64x128xf32, #tpu.memory_space<vmem>>, vector<16xf32>,
        %add3A_317 = arith.constant 0 : i32
        %add3A_318 = arith.addi %mul3A_294, %add3A_317 : i32
        %add3A_319 = vector.broadcast %add3A_318 : i32 to vector<16xi32>
        %add3A_320 = arith.addi %broadcast_in_dim3A_197, %add3A_319 : vector<16xi32>
        %gather3A_321 = tpu.vector_load_idx %arg4[%select_n3A_96, %add3A_320] : memref<64x128xf32, #tpu.memory_space<vmem>>[vector<16xi32>, vector<16xi32>], vector<16xf32>,
        %swap3A_322 = arith.index_cast %scan3A_292 : i32 to index
        %swap3A_323 = arith.constant 48 : index
        %swap3A_324 = tpu.vector_load %arg6[%swap3A_322, %swap3A_323] {strides = array<i32>} : memref<64x128xf32, #tpu.memory_space<vmem>>, vector<16xf32>,
        tpu.vector_store %arg6[%swap3A_322, %swap3A_323], %gather3A_321 {strides = array<i32>} : memref<64x128xf32, #tpu.memory_space<vmem>>, vector<16xf32>,
        %add3A_325 = arith.constant 1 : i32
        %add3A_326 = arith.addi %mul3A_294, %add3A_325 : i32
        %add3A_327 = vector.broadcast %add3A_326 : i32 to vector<16xi32>
        %add3A_328 = arith.addi %broadcast_in_dim3A_197, %add3A_327 : vector<16xi32>
        %gather3A_329 = tpu.vector_load_idx %arg4[%select_n3A_121, %add3A_328] : memref<64x128xf32, #tpu.memory_space<vmem>>[vector<16xi32>, vector<16xi32>], vector<16xf32>,
        %swap3A_330 = arith.index_cast %scan3A_292 : i32 to index
        %swap3A_331 = arith.constant 64 : index
        %swap3A_332 = tpu.vector_load %arg6[%swap3A_330, %swap3A_331] {strides = array<i32>} : memref<64x128xf32, #tpu.memory_space<vmem>>, vector<16xf32>,
        tpu.vector_store %arg6[%swap3A_330, %swap3A_331], %gather3A_329 {strides = array<i32>} : memref<64x128xf32, #tpu.memory_space<vmem>>, vector<16xf32>,
        %add3A_333 = arith.constant 1 : i32
        %add3A_334 = arith.addi %mul3A_294, %add3A_333 : i32
        %add3A_335 = vector.broadcast %add3A_334 : i32 to vector<16xi32>
        %add3A_336 = arith.addi %broadcast_in_dim3A_197, %add3A_335 : vector<16xi32>
        %gather3A_337 = tpu.vector_load_idx %arg4[%select_n3A_146, %add3A_336] : memref<64x128xf32, #tpu.memory_space<vmem>>[vector<16xi32>, vector<16xi32>], vector<16xf32>,
        %swap3A_338 = arith.index_cast %scan3A_292 : i32 to index
        %swap3A_339 = arith.constant 80 : index
        %swap3A_340 = tpu.vector_load %arg6[%swap3A_338, %swap3A_339] {strides = array<i32>} : memref<64x128xf32, #tpu.memory_space<vmem>>, vector<16xf32>,
        tpu.vector_store %arg6[%swap3A_338, %swap3A_339], %gather3A_337 {strides = array<i32>} : memref<64x128xf32, #tpu.memory_space<vmem>>, vector<16xf32>,
        %add3A_341 = arith.constant 1 : i32
        %add3A_342 = arith.addi %mul3A_294, %add3A_341 : i32
        %add3A_343 = vector.broadcast %add3A_342 : i32 to vector<16xi32>
        %add3A_344 = arith.addi %broadcast_in_dim3A_197, %add3A_343 : vector<16xi32>
        %gather3A_345 = tpu.vector_load_idx %arg4[%select_n3A_171, %add3A_344] : memref<64x128xf32, #tpu.memory_space<vmem>>[vector<16xi32>, vector<16xi32>], vector<16xf32>,
        %swap3A_346 = arith.index_cast %scan3A_292 : i32 to index
        %swap3A_347 = arith.constant 96 : index
        %swap3A_348 = tpu.vector_load %arg6[%swap3A_346, %swap3A_347] {strides = array<i32>} : memref<64x128xf32, #tpu.memory_space<vmem>>, vector<16xf32>,
        tpu.vector_store %arg6[%swap3A_346, %swap3A_347], %gather3A_345 {strides = array<i32>} : memref<64x128xf32, #tpu.memory_space<vmem>>, vector<16xf32>,
        %add3A_349 = arith.constant 1 : i32
        %add3A_350 = arith.addi %mul3A_294, %add3A_349 : i32
        %add3A_351 = vector.broadcast %add3A_350 : i32 to vector<16xi32>
        %add3A_352 = arith.addi %broadcast_in_dim3A_197, %add3A_351 : vector<16xi32>
        %gather3A_353 = tpu.vector_load_idx %arg4[%select_n3A_196, %add3A_352] : memref<64x128xf32, #tpu.memory_space<vmem>>[vector<16xi32>, vector<16xi32>], vector<16xf32>,
        %swap3A_354 = arith.index_cast %scan3A_292 : i32 to index
        %swap3A_355 = arith.constant 112 : index
        %swap3A_356 = tpu.vector_load %arg6[%swap3A_354, %swap3A_355] {strides = array<i32>} : memref<64x128xf32, #tpu.memory_space<vmem>>, vector<16xf32>,
        tpu.vector_store %arg6[%swap3A_354, %swap3A_355], %gather3A_353 {strides = array<i32>} : memref<64x128xf32, #tpu.memory_space<vmem>>, vector<16xf32>,
      }
      %scan3A_245 = arith.constant 64 : i32
      %mul3A_246 = arith.constant 64 : i32
      %mul3A_247 = arith.muli %add3A_231, %mul3A_246 : i32
      %dma_start3A_248 = arith.constant 0 : i32
      %dma_start3A_249 = tpu.memref_slice %arg3[%mul3A_247, %dma_start3A_248] : memref<500032x128xf32, #tpu.memory_space<hbm>> -> memref<64x128xf32, #tpu.memory_space<hbm>>
      %dma_start3A_250 = arith.constant 0 : i32
      %dma_start3A_251 = tpu.memref_slice %arg3[%mul3A_247, %dma_start3A_250] : memref<500032x128xf32, #tpu.memory_space<hbm>> -> memref<64x128xf32, #tpu.memory_space<hbm>>
      tpu.enqueue_dma source(%arg6 : memref<64x128xf32, #tpu.memory_space<vmem>>) target(%dma_start3A_251 : memref<64x128xf32, #tpu.memory_space<hbm>>) target_semaphore(%arg10 : memref<!tpu.dma_semaphore, #tpu.memory_space<semaphore_mem>>)
      %add3A_252 = arith.constant 1 : i32
      %add3A_253 = arith.addi %scan3A_228, %add3A_252 : i32
      %lt3A_254 = arith.constant 123 : i32
      %lt3A_255 = arith.cmpi slt, %add3A_253, %lt3A_254 : i32
      %convert_element_type3A_256 = arith.extui %lt3A_255 : i1 to i32
      %cond3A_257 = arith.constant 0 : i32
      %cond3A_258 = arith.cmpi ne, %convert_element_type3A_256, %cond3A_257 : i32
      scf.if %cond3A_258 {
        %add3A_292 = arith.constant 1 : i32
        %add3A_293 = arith.addi %add3A_231, %add3A_292 : i32
        %mul3A_294 = arith.constant 128 : i32
        %mul3A_295 = arith.muli %add3A_293, %mul3A_294 : i32
        %multiple_of3A_296 = tpu.assume_multiple %mul3A_295, 128 : i32
        %dma_start3A_297 = arith.constant 0 : i32
        %dma_start3A_298 = tpu.memref_slice %arg2[%dma_start3A_297, %multiple_of3A_296] : memref<64x1000000xf32, #tpu.memory_space<hbm>> -> memref<64x128xf32, #tpu.memory_space<hbm>>
        %dma_start3A_299 = arith.constant 0 : i32
        %dma_start3A_300 = tpu.memref_slice %arg2[%dma_start3A_299, %multiple_of3A_296] : memref<64x1000000xf32, #tpu.memory_space<hbm>> -> memref<64x128xf32, #tpu.memory_space<hbm>>
        tpu.enqueue_dma source(%dma_start3A_300 : memref<64x128xf32, #tpu.memory_space<hbm>>) target(%arg4 : memref<64x128xf32, #tpu.memory_space<vmem>>) target_semaphore(%arg8 : memref<!tpu.dma_semaphore, #tpu.memory_space<semaphore_mem>>)
      } else {
      }
      %add3A_259 = arith.constant 123 : i32
      %add3A_260 = arith.addi %min3A_3, %add3A_259 : i32
      %add3A_261 = arith.addi %add3A_260, %scan3A_228 : i32
      %dma_wait3A_262 = arith.constant 0 : i32
      %dma_wait3A_263 = arith.constant 0 : i32
      %dma_wait3A_264 = tpu.memref_slice %arg2[%dma_wait3A_262, %dma_wait3A_263] : memref<64x1000000xf32, #tpu.memory_space<hbm>> -> memref<64x128xf32, #tpu.memory_space<hbm>>
      %dma_wait3A_265 = arith.constant 0 : i32
      %dma_wait3A_266 = arith.constant 0 : i32
      %dma_wait3A_267 = tpu.memref_slice %arg2[%dma_wait3A_265, %dma_wait3A_266] : memref<64x1000000xf32, #tpu.memory_space<hbm>> -> memref<64x128xf32, #tpu.memory_space<hbm>>
      tpu.wait_dma2 semaphore(%arg9 : memref<!tpu.dma_semaphore, #tpu.memory_space<semaphore_mem>>) src(%dma_wait3A_267 : memref<64x128xf32, #tpu.memory_space<hbm>>) dst(%arg5 : memref<64x128xf32, #tpu.memory_space<vmem>>)
      %gt3A_268 = arith.constant 0 : i32
      %gt3A_269 = arith.cmpi sgt, %scan3A_228, %gt3A_268 : i32
      %convert_element_type3A_270 = arith.extui %gt3A_269 : i1 to i32
      %cond3A_271 = arith.constant 0 : i32
      %cond3A_272 = arith.cmpi ne, %convert_element_type3A_270, %cond3A_271 : i32
      scf.if %cond3A_272 {
        %dma_wait3A_292 = arith.constant 0 : i32
        %dma_wait3A_293 = arith.constant 0 : i32
        %dma_wait3A_294 = tpu.memref_slice %arg2[%dma_wait3A_292, %dma_wait3A_293] : memref<64x1000000xf32, #tpu.memory_space<hbm>> -> memref<64x128xf32, #tpu.memory_space<hbm>>
        %dma_wait3A_295 = arith.constant 0 : i32
        %dma_wait3A_296 = arith.constant 0 : i32
        %dma_wait3A_297 = tpu.memref_slice %arg2[%dma_wait3A_295, %dma_wait3A_296] : memref<64x1000000xf32, #tpu.memory_space<hbm>> -> memref<64x128xf32, #tpu.memory_space<hbm>>
        tpu.wait_dma2 semaphore(%arg11 : memref<!tpu.dma_semaphore, #tpu.memory_space<semaphore_mem>>) src(%dma_wait3A_297 : memref<64x128xf32, #tpu.memory_space<hbm>>) dst(%arg7 : memref<64x128xf32, #tpu.memory_space<vmem>>)
      } else {
      }
      %scan3A_273 = arith.constant 0 : i32
      %scan3A_274 = arith.constant 0 : i32
      %scan3A_275 = arith.constant 64 : i32
      %scan3A_276 = arith.addi %scan3A_274, %scan3A_275 : i32
      %scan3A_277 = arith.constant 1 : i32
      scf.for %scan3A_292 = %scan3A_274 to %scan3A_276 step %scan3A_277  : i32 {
        %mul3A_293 = arith.constant 2 : i32
        %mul3A_294 = arith.muli %scan3A_292, %mul3A_293 : i32
        %add3A_295 = arith.constant 0 : i32
        %add3A_296 = arith.addi %mul3A_294, %add3A_295 : i32
        %add3A_297 = vector.broadcast %add3A_296 : i32 to vector<16xi32>
        %add3A_298 = arith.addi %broadcast_in_dim3A_197, %add3A_297 : vector<16xi32>
        %gather3A = tpu.vector_load_idx %arg5[%select_n3A_21, %add3A_298] : memref<64x128xf32, #tpu.memory_space<vmem>>[vector<16xi32>, vector<16xi32>], vector<16xf32>,
        %swap3A = arith.index_cast %scan3A_292 : i32 to index
        %swap3A_299 = arith.constant 0 : index
        %swap3A_300 = tpu.vector_load %arg7[%swap3A, %swap3A_299] {strides = array<i32>} : memref<64x128xf32, #tpu.memory_space<vmem>>, vector<16xf32>,
        tpu.vector_store %arg7[%swap3A, %swap3A_299], %gather3A {strides = array<i32>} : memref<64x128xf32, #tpu.memory_space<vmem>>, vector<16xf32>,
        %add3A_301 = arith.constant 0 : i32
        %add3A_302 = arith.addi %mul3A_294, %add3A_301 : i32
        %add3A_303 = vector.broadcast %add3A_302 : i32 to vector<16xi32>
        %add3A_304 = arith.addi %broadcast_in_dim3A_197, %add3A_303 : vector<16xi32>
        %gather3A_305 = tpu.vector_load_idx %arg5[%select_n3A_46, %add3A_304] : memref<64x128xf32, #tpu.memory_space<vmem>>[vector<16xi32>, vector<16xi32>], vector<16xf32>,
        %swap3A_306 = arith.index_cast %scan3A_292 : i32 to index
        %swap3A_307 = arith.constant 16 : index
        %swap3A_308 = tpu.vector_load %arg7[%swap3A_306, %swap3A_307] {strides = array<i32>} : memref<64x128xf32, #tpu.memory_space<vmem>>, vector<16xf32>,
        tpu.vector_store %arg7[%swap3A_306, %swap3A_307], %gather3A_305 {strides = array<i32>} : memref<64x128xf32, #tpu.memory_space<vmem>>, vector<16xf32>,
        %add3A_309 = arith.constant 0 : i32
        %add3A_310 = arith.addi %mul3A_294, %add3A_309 : i32
        %add3A_311 = vector.broadcast %add3A_310 : i32 to vector<16xi32>
        %add3A_312 = arith.addi %broadcast_in_dim3A_197, %add3A_311 : vector<16xi32>
        %gather3A_313 = tpu.vector_load_idx %arg5[%select_n3A_71, %add3A_312] : memref<64x128xf32, #tpu.memory_space<vmem>>[vector<16xi32>, vector<16xi32>], vector<16xf32>,
        %swap3A_314 = arith.index_cast %scan3A_292 : i32 to index
        %swap3A_315 = arith.constant 32 : index
        %swap3A_316 = tpu.vector_load %arg7[%swap3A_314, %swap3A_315] {strides = array<i32>} : memref<64x128xf32, #tpu.memory_space<vmem>>, vector<16xf32>,
        tpu.vector_store %arg7[%swap3A_314, %swap3A_315], %gather3A_313 {strides = array<i32>} : memref<64x128xf32, #tpu.memory_space<vmem>>, vector<16xf32>,
        %add3A_317 = arith.constant 0 : i32
        %add3A_318 = arith.addi %mul3A_294, %add3A_317 : i32
        %add3A_319 = vector.broadcast %add3A_318 : i32 to vector<16xi32>
        %add3A_320 = arith.addi %broadcast_in_dim3A_197, %add3A_319 : vector<16xi32>
        %gather3A_321 = tpu.vector_load_idx %arg5[%select_n3A_96, %add3A_320] : memref<64x128xf32, #tpu.memory_space<vmem>>[vector<16xi32>, vector<16xi32>], vector<16xf32>,
        %swap3A_322 = arith.index_cast %scan3A_292 : i32 to index
        %swap3A_323 = arith.constant 48 : index
        %swap3A_324 = tpu.vector_load %arg7[%swap3A_322, %swap3A_323] {strides = array<i32>} : memref<64x128xf32, #tpu.memory_space<vmem>>, vector<16xf32>,
        tpu.vector_store %arg7[%swap3A_322, %swap3A_323], %gather3A_321 {strides = array<i32>} : memref<64x128xf32, #tpu.memory_space<vmem>>, vector<16xf32>,
        %add3A_325 = arith.constant 1 : i32
        %add3A_326 = arith.addi %mul3A_294, %add3A_325 : i32
        %add3A_327 = vector.broadcast %add3A_326 : i32 to vector<16xi32>
        %add3A_328 = arith.addi %broadcast_in_dim3A_197, %add3A_327 : vector<16xi32>
        %gather3A_329 = tpu.vector_load_idx %arg5[%select_n3A_121, %add3A_328] : memref<64x128xf32, #tpu.memory_space<vmem>>[vector<16xi32>, vector<16xi32>], vector<16xf32>,
        %swap3A_330 = arith.index_cast %scan3A_292 : i32 to index
        %swap3A_331 = arith.constant 64 : index
        %swap3A_332 = tpu.vector_load %arg7[%swap3A_330, %swap3A_331] {strides = array<i32>} : memref<64x128xf32, #tpu.memory_space<vmem>>, vector<16xf32>,
        tpu.vector_store %arg7[%swap3A_330, %swap3A_331], %gather3A_329 {strides = array<i32>} : memref<64x128xf32, #tpu.memory_space<vmem>>, vector<16xf32>,
        %add3A_333 = arith.constant 1 : i32
        %add3A_334 = arith.addi %mul3A_294, %add3A_333 : i32
        %add3A_335 = vector.broadcast %add3A_334 : i32 to vector<16xi32>
        %add3A_336 = arith.addi %broadcast_in_dim3A_197, %add3A_335 : vector<16xi32>
        %gather3A_337 = tpu.vector_load_idx %arg5[%select_n3A_146, %add3A_336] : memref<64x128xf32, #tpu.memory_space<vmem>>[vector<16xi32>, vector<16xi32>], vector<16xf32>,
        %swap3A_338 = arith.index_cast %scan3A_292 : i32 to index
        %swap3A_339 = arith.constant 80 : index
        %swap3A_340 = tpu.vector_load %arg7[%swap3A_338, %swap3A_339] {strides = array<i32>} : memref<64x128xf32, #tpu.memory_space<vmem>>, vector<16xf32>,
        tpu.vector_store %arg7[%swap3A_338, %swap3A_339], %gather3A_337 {strides = array<i32>} : memref<64x128xf32, #tpu.memory_space<vmem>>, vector<16xf32>,
        %add3A_341 = arith.constant 1 : i32
        %add3A_342 = arith.addi %mul3A_294, %add3A_341 : i32
        %add3A_343 = vector.broadcast %add3A_342 : i32 to vector<16xi32>
        %add3A_344 = arith.addi %broadcast_in_dim3A_197, %add3A_343 : vector<16xi32>
        %gather3A_345 = tpu.vector_load_idx %arg5[%select_n3A_171, %add3A_344] : memref<64x128xf32, #tpu.memory_space<vmem>>[vector<16xi32>, vector<16xi32>], vector<16xf32>,
        %swap3A_346 = arith.index_cast %scan3A_292 : i32 to index
        %swap3A_347 = arith.constant 96 : index
        %swap3A_348 = tpu.vector_load %arg7[%swap3A_346, %swap3A_347] {strides = array<i32>} : memref<64x128xf32, #tpu.memory_space<vmem>>, vector<16xf32>,
        tpu.vector_store %arg7[%swap3A_346, %swap3A_347], %gather3A_345 {strides = array<i32>} : memref<64x128xf32, #tpu.memory_space<vmem>>, vector<16xf32>,
        %add3A_349 = arith.constant 1 : i32
        %add3A_350 = arith.addi %mul3A_294, %add3A_349 : i32
        %add3A_351 = vector.broadcast %add3A_350 : i32 to vector<16xi32>
        %add3A_352 = arith.addi %broadcast_in_dim3A_197, %add3A_351 : vector<16xi32>
        %gather3A_353 = tpu.vector_load_idx %arg5[%select_n3A_196, %add3A_352] : memref<64x128xf32, #tpu.memory_space<vmem>>[vector<16xi32>, vector<16xi32>], vector<16xf32>,
        %swap3A_354 = arith.index_cast %scan3A_292 : i32 to index
        %swap3A_355 = arith.constant 112 : index
        %swap3A_356 = tpu.vector_load %arg7[%swap3A_354, %swap3A_355] {strides = array<i32>} : memref<64x128xf32, #tpu.memory_space<vmem>>, vector<16xf32>,
        tpu.vector_store %arg7[%swap3A_354, %swap3A_355], %gather3A_353 {strides = array<i32>} : memref<64x128xf32, #tpu.memory_space<vmem>>, vector<16xf32>,
      }
      %scan3A_278 = arith.constant 64 : i32
      %mul3A_279 = arith.constant 64 : i32
      %mul3A_280 = arith.muli %add3A_261, %mul3A_279 : i32
      %dma_start3A_281 = arith.constant 0 : i32
      %dma_start3A_282 = tpu.memref_slice %arg3[%mul3A_280, %dma_start3A_281] : memref<500032x128xf32, #tpu.memory_space<hbm>> -> memref<64x128xf32, #tpu.memory_space<hbm>>
      %dma_start3A_283 = arith.constant 0 : i32
      %dma_start3A_284 = tpu.memref_slice %arg3[%mul3A_280, %dma_start3A_283] : memref<500032x128xf32, #tpu.memory_space<hbm>> -> memref<64x128xf32, #tpu.memory_space<hbm>>
      tpu.enqueue_dma source(%arg7 : memref<64x128xf32, #tpu.memory_space<vmem>>) target(%dma_start3A_284 : memref<64x128xf32, #tpu.memory_space<hbm>>) target_semaphore(%arg11 : memref<!tpu.dma_semaphore, #tpu.memory_space<semaphore_mem>>)
      %add3A_285 = arith.constant 1 : i32
      %add3A_286 = arith.addi %scan3A_228, %add3A_285 : i32
      %lt3A_287 = arith.constant 123 : i32
      %lt3A_288 = arith.cmpi slt, %add3A_286, %lt3A_287 : i32
      %convert_element_type3A_289 = arith.extui %lt3A_288 : i1 to i32
      %cond3A_290 = arith.constant 0 : i32
      %cond3A_291 = arith.cmpi ne, %convert_element_type3A_289, %cond3A_290 : i32
      scf.if %cond3A_291 {
        %add3A_292 = arith.constant 1 : i32
        %add3A_293 = arith.addi %add3A_261, %add3A_292 : i32
        %mul3A_294 = arith.constant 128 : i32
        %mul3A_295 = arith.muli %add3A_293, %mul3A_294 : i32
        %multiple_of3A_296 = tpu.assume_multiple %mul3A_295, 128 : i32
        %dma_start3A_297 = arith.constant 0 : i32
        %dma_start3A_298 = tpu.memref_slice %arg2[%dma_start3A_297, %multiple_of3A_296] : memref<64x1000000xf32, #tpu.memory_space<hbm>> -> memref<64x128xf32, #tpu.memory_space<hbm>>
        %dma_start3A_299 = arith.constant 0 : i32
        %dma_start3A_300 = tpu.memref_slice %arg2[%dma_start3A_299, %multiple_of3A_296] : memref<64x1000000xf32, #tpu.memory_space<hbm>> -> memref<64x128xf32, #tpu.memory_space<hbm>>
        tpu.enqueue_dma source(%dma_start3A_300 : memref<64x128xf32, #tpu.memory_space<hbm>>) target(%arg5 : memref<64x128xf32, #tpu.memory_space<vmem>>) target_semaphore(%arg9 : memref<!tpu.dma_semaphore, #tpu.memory_space<semaphore_mem>>)
      } else {
      }
    }
    %scan3A_216 = arith.constant 123 : i32
    %dma_wait3A = arith.constant 0 : i32
    %dma_wait3A_217 = arith.constant 0 : i32
    %dma_wait3A_218 = tpu.memref_slice %arg2[%dma_wait3A, %dma_wait3A_217] : memref<64x1000000xf32, #tpu.memory_space<hbm>> -> memref<64x128xf32, #tpu.memory_space<hbm>>
    %dma_wait3A_219 = arith.constant 0 : i32
    %dma_wait3A_220 = arith.constant 0 : i32
    %dma_wait3A_221 = tpu.memref_slice %arg2[%dma_wait3A_219, %dma_wait3A_220] : memref<64x1000000xf32, #tpu.memory_space<hbm>> -> memref<64x128xf32, #tpu.memory_space<hbm>>
    tpu.wait_dma2 semaphore(%arg10 : memref<!tpu.dma_semaphore, #tpu.memory_space<semaphore_mem>>) src(%dma_wait3A_221 : memref<64x128xf32, #tpu.memory_space<hbm>>) dst(%arg6 : memref<64x128xf32, #tpu.memory_space<vmem>>)
    %dma_wait3A_222 = arith.constant 0 : i32
    %dma_wait3A_223 = arith.constant 0 : i32
    %dma_wait3A_224 = tpu.memref_slice %arg2[%dma_wait3A_222, %dma_wait3A_223] : memref<64x1000000xf32, #tpu.memory_space<hbm>> -> memref<64x128xf32, #tpu.memory_space<hbm>>
    %dma_wait3A_225 = arith.constant 0 : i32
    %dma_wait3A_226 = arith.constant 0 : i32
    %dma_wait3A_227 = tpu.memref_slice %arg2[%dma_wait3A_225, %dma_wait3A_226] : memref<64x1000000xf32, #tpu.memory_space<hbm>> -> memref<64x128xf32, #tpu.memory_space<hbm>>
    tpu.wait_dma2 semaphore(%arg11 : memref<!tpu.dma_semaphore, #tpu.memory_space<semaphore_mem>>) src(%dma_wait3A_227 : memref<64x128xf32, #tpu.memory_space<hbm>>) dst(%arg7 : memref<64x128xf32, #tpu.memory_space<vmem>>)
    return
  }
}

</mosaic_0001>

<sc_bundles>
// kernel: _detile.3.cloned.1.call-start
scs
__scs_entry_jumppad:
0x0: {  	(pc) =	sbr.rel $0x88, $3  }
0x1: {  	(tag) =	ssettag $0x0;
	lr =	simm.s32 $0x1  }
0x2: {  	[smem:$0x3FA0] =	sst lr;
	_ =	strace $0xD0000000  }
0x3: {  	_ = 	snop  }
0x4: {  	_ = 	snop  }
0x5: {  	_ = 	snop  }
0x6: {  	_ = 	snop  }
0x7: {  	_ = 	snop  }
__scs_overlays_trampoline_lowered:
0x8: {  	[smem:$0x3FAF] =	sst s0  }
0x9: {  	[smem:$0x3FB0] =	sst s1  }
0xa: {  	[smem:$0x3FB1] =	sst s2  }
0xb: {  	[smem:$0x3FB2] =	sst s3  }
0xc: {  	[smem:$0x3FB3] =	sst s4  }
0xd: {  	[smem:$0x3FB4] =	sst s5  }
0xe: {  	[smem:$0x3FB5] =	sst s6  }
0xf: {  	[smem:$0x3FB6] =	sst s7  }
0x10: {  	[smem:$0x3FB7] =	sst s8  }
0x11: {  	[smem:$0x3FB8] =	sst s9;
	s0 =	simm.s32 @!p0 $0x0  }
0x12: {  	s1 =	sld [smem:$0x3F9E];
	s0 =	simm.s32 @p0 $0x1  }
0x13: {  	[smem:$0x3FB9] =	sst s0;
	s0 =	simm.s32 @!p1 $0x0  }
0x14: {  	s2 =	sld [smem:$0x3F9D];
	s0 =	simm.s32 @p1 $0x1  }
0x15: {  	[smem:$0x3FBA] =	sst s0;
	s0 =	simm.s32 @!p2 $0x0  }
0x16: {  	s3 =	sld [smem:$0x3FDB];
	s0 =	simm.s32 @p2 $0x1  }
0x17: {  	s4 =	simm.s32 $0x1BF5;
	[smem:$0x3FBC] =	sst s0  }
0x18: {  	s0 =	sld [smem:$0x3F9F];
	_ =	swait.ge [sflag:s4], $0x0  }
0x19: {  	s7 =	sld [smem:$0x3FA0]  }
0x1a: {  	s8 =	sadd.s32 $0xFFFFE003, lr  }
0x1b: {  	s9 =	sadd.s32 $0xFFFFFEF7, lr;
	s5 =	simm.s32 $0xFFFFFFFF;
	p2 =	slt.u32 s8, $0xFFFFF086  }
0x1c: {  	p1 =	slt.u32 s9, $0xF7A;
	s5 =	simm.s32 @!p2 $0x0  }
0x1d: {  	s5 =	simm.s32 @p1 $0x1;
	p0 =	seq.s32 s7, s2  }
0x1e: {  	s7 =	smul.u32 @!p0 $0xF7A, s2;
	p2 =	seq.s32 @!p0 s5, $0x0  }
0x1f: {  	s9 =	smul.u32 $0xF7A, s1;
	s8 =	simm.s32 @!p0 $0x1BF5;
	p2 =	por !p2, p0  }
0x20: {  	[sflag:s8] =	ssyncset.s32 @!p0 $0xFFFFF086;
	s6 =	sadd.s32 @!p0 s3, s7;
	s7 =	simm.s32 @!p0 $0x108  }
0x21: {  	s3 =	sadd.s32 s3, s9;
	s6 =	sadd.s32 @!p0 $0x88, s6;
	s7 =	simm.s32 @p2 $0x1082  }
0x22: {  	[simem:s7], [sflag:s8] =	dma.local @!p0 [hbm:s6], $0xF7A  }
0x23: {  	s9 =	sor.u32 $0xD0000000, s2;
	s6 =	simm.s32 $0x108;
	_ =	swait.ge @!p0 [sflag:s8], $0x0  }
0x24: {  	s3 =	sadd.s32 $0x88, s3;
	s6 =	simm.s32 @!p1 $0x1082;
	[sflag:s4] =	ssyncset.s32 $0xFFFFF086  }
0x25: {  	[simem:s6], [sflag:s4] =	dma.local [hbm:s3], $0xF7A  }
0x26: {  	[smem:$0x3FA0] =	sst s1;
	(tag) =	ssettag s2;
	_ =	strace s9  }
0x27: {  	s1 =	sld [smem:$0x3FB0]  }
0x28: {  	s2 =	sld [smem:$0x3FB1]  }
0x29: {  	s4 =	sld [smem:$0x3FB3]  }
0x2a: {  	p0 =	seq.s32 s5, $0x0;
	s5 =	sld [smem:$0x3FB4]  }
0x2b: {  	s6 =	sld [smem:$0x3FB5]  }
0x2c: {  	s7 =	sld [smem:$0x3FB6]  }
0x2d: {  	s3 =	simm.s32 $0x108;
	s8 =	sld [smem:$0x3FB7]  }
0x2e: {  	s3 =	simm.s32 @!p0 $0x1082;
	s9 =	sld [smem:$0x3FB8]  }
0x2f: {  	lr =	sadd.s32 s0, s3;
	s0 =	sld [smem:$0x3FAF]  }
0x30: {  	s3 =	sld [smem:$0x3FB2]  }
0x31: {  	[smem:$0x3FBB] =	sst s10  }
0x32: {  	s10 =	sld [smem:$0x3FB9];
	_ =	sdelay $0x3  }
0x33: {  	p0 =	seq.s32 s10, $0x1;
	s10 =	sld [smem:$0x3FBB];
	_ =	sdelay $0x3  }
0x34: {  	[smem:$0x3FBB] =	sst s10  }
0x35: {  	s10 =	sld [smem:$0x3FBA];
	_ =	sdelay $0x3  }
0x36: {  	p1 =	seq.s32 s10, $0x1;
	s10 =	sld [smem:$0x3FBB];
	_ =	sdelay $0x3  }
0x37: {  	[smem:$0x3FBB] =	sst s10  }
0x38: {  	s10 =	sld [smem:$0x3FBC]  }
0x39: {  	_ = 	snop;
	(pc) =	sbr.ind lr, $3  }
0x3a: {  	_ = 	snop  }
0x3b: {  	_ = 	snop  }
0x3c: {  	p2 =	seq.s32 s10, $0x1;
	s10 =	sld [smem:$0x3FBB]  }
0x3d: {  	_ =	shalt  }
0x3e: {  	_ =	shalt  }
0x3f: {  	_ =	shalt  }
0x40: {  	_ =	shalt  }
0x41: {  	_ =	shalt  }
0x42: {  	_ =	shalt  }
0x43: {  	_ =	shalt  }
0x44: {  	_ =	shalt  }
0x45: {  	_ =	shalt  }
0x46: {  	_ =	shalt  }
0x47: {  	_ =	shalt  }
0x48: {  	_ =	shalt  }
0x49: {  	_ =	shalt  }
0x4a: {  	_ =	shalt  }
0x4b: {  	_ =	shalt  }
0x4c: {  	_ =	shalt  }
0x4d: {  	_ =	shalt  }
0x4e: {  	_ =	shalt  }
0x4f: {  	_ =	shalt  }
0x50: {  	_ =	shalt  }
0x51: {  	_ =	shalt  }
0x52: {  	_ =	shalt  }
0x53: {  	_ =	shalt  }
0x54: {  	_ =	shalt  }
0x55: {  	_ =	shalt  }
0x56: {  	_ =	shalt  }
0x57: {  	_ =	shalt  }
0x58: {  	_ =	shalt  }
0x59: {  	_ =	shalt  }
0x5a: {  	_ =	shalt  }
0x5b: {  	_ =	shalt  }
0x5c: {  	_ =	shalt  }
0x5d: {  	_ =	shalt  }
0x5e: {  	_ =	shalt  }
0x5f: {  	_ =	shalt  }
0x60: {  	_ =	shalt  }
0x61: {  	_ =	shalt  }
0x62: {  	_ =	shalt  }
0x63: {  	_ =	shalt  }
0x64: {  	_ =	shalt  }
0x65: {  	_ =	shalt  }
0x66: {  	_ =	shalt  }
0x67: {  	_ =	shalt  }
0x68: {  	_ =	shalt  }
0x69: {  	_ =	shalt  }
0x6a: {  	_ =	shalt  }
0x6b: {  	_ =	shalt  }
0x6c: {  	_ =	shalt  }
0x6d: {  	_ =	shalt  }
0x6e: {  	_ =	shalt  }
0x6f: {  	_ =	shalt  }
0x70: {  	_ =	shalt  }
0x71: {  	_ =	shalt  }
0x72: {  	_ =	shalt  }
0x73: {  	_ =	shalt  }
0x74: {  	_ =	shalt  }
0x75: {  	_ =	shalt  }
0x76: {  	_ =	shalt  }
0x77: {  	_ =	shalt  }
0x78: {  	_ =	shalt  }
0x79: {  	_ =	shalt  }
0x7a: {  	_ =	shalt  }
0x7b: {  	_ =	shalt  }
0x7c: {  	_ =	shalt  }
0x7d: {  	_ =	shalt  }
0x7e: {  	_ =	shalt  }
0x7f: {  	_ =	shalt  }
0x80: {  	_ =	shalt  }
0x81: {  	_ =	shalt  }
0x82: {  	_ =	shalt  }
0x83: {  	_ =	shalt  }
0x84: {  	_ =	shalt  }
0x85: {  	_ =	shalt  }
0x86: {  	_ =	shalt  }
0x87: {  	_ =	shalt  }
.Lfunc_end0:
.L_simem_size_0:
called_computation_lowered:
.L_overlay_start_0:
0x88: {  	s2 =	sld [smem:$0x3FD9]  }
0x89: {  	s3 =	sld [smem:$0x3FFE];
	_ =	sdelay $0x1  }
0x8a: {  	s1 =	srdreg.scid  }
0x8b: {  	s0 =	sand.u32 $0x1, s1  }
0x8c: {  	s18 =	sshll.u32 s0, $0xA;
	s2 =	sadd.s32 s3, s2  }
0x8d: {  	s2 =	sadd.s32 s2, s18  }
0x8e: {  	[smem:$0x3FC7] =	sst s2  }
0x8f: {  	_ = 	snop  }
0x90: {  	s2 =	sld [smem:$0x3FC9]  }
0x91: {  	s19 =	sld [smem:$0x3FD0];
	(tm) =	ssettm $0x1  }
0x92: {  	s4 =	sld [smem:$0x3FFB];
	_ =	sdelay $0x3  }
0x93: {  	_ =	strace s4  }
0x94: {  	s4 =	sld [smem:$0x3FFC];
	_ =	sdelay $0x3  }
0x95: {  	_ =	strace s4  }
0x96: {  	s4 =	sld [smem:$0x3FFD];
	_ =	sdelay $0x3  }
0x97: {  	_ =	strace s4  }
0x98: {  	_ =	strace $0x8FFFFFFF  }
0x99: {  	s20 =	sld [smem:$0x3FDB];
	_ =	sdelay $0x1  }
0x9a: {  	s5 =	simm.s32 $_scs_section_size  }
0x9b: {  	s6 =	simm.s32 $_size__tile_overlayer_lowered;
	s7 =	simm.s32 $_tile_overlayer_lowered  }
0x9c: {  	s23 =	simm.s32 $0x1BFF;
	s22 =	sshll.u32 s7, $0x1;
	s4 =	sadd.s32 s5, s20  }
0x9d: {  	s8 =	simm.s32 $0x0;
	s21 =	sshll.u32 s6, $0x1;
	s6 =	sadd.s32 s22, s4  }
0x9e: {  	[timem:s8], [sflag:s23] =	dma.local [hbm:s6], s21  }
0x9f: {  	_ =	swait.ge [sflag:s23], s21  }
0xa0: {  	s5 =	ssub.s32 $0x0, s21;
	[sflag:s23] =	ssyncset.done $0x0  }
0xa1: {  	[sflag:s23] =	ssyncadd.s32 s5;
	_ =	sdelay $0x1  }
0xa2: {  	s24 =	simm.s32 $0x1B8B  }
0xa3: {  	_ =	swait.ge [sflag:s24], $0x1  }
0xa4: {  	[sflag:s24] =	ssyncset.done $0x0  }
0xa5: {  	s25 =	simm.s32 $0x1B8E;
	[sflag:s24] =	ssyncadd.s32 $0xFFFFFFFF  }
0xa6: {  	s26 =	simm.s32 $execute0_lowered;
	[smem:$0x3FD2] =	sst s25  }
0xa7: {  	s5 =	sshll.u32 s26, $0x1;
	_ =	strace $0x80000046;
	[dreg:$0x1] =	wrdreg $0xFFFFFFFF  }
0xa8: {  	s28 =	simm.s32 $_size_execute0_lowered;
	s4 =	sadd.s32 s4, s5;
	[dreg:$0x0] =	wrdreg $0x0  }
0xa9: {  	s5 =	sshll.u32 s28, $0x1;
	[dreg:$0x2] =	wrdreg s4  }
0xaa: {  	[dreg:$0x3] =	wrdreg s5  }
0xab: {  	[dreg:$0x4] =	wrdreg $0xC0  }
0xac: {  	_ =	task [dreg:s8], $0x5FFFF  }
0xad: {  	[dreg:$0x1] =	wrdreg $0xFFFFFFFF  }
0xae: {  	[dreg:$0x0] =	wrdreg $0x60  }
0xaf: {  	[dreg:$0x2] =	wrdreg s2  }
0xb0: {  	[dreg:$0x3] =	wrdreg s19  }
0xb1: {  	[dreg:$0x4] =	wrdreg $0x9  }
0xb2: {  	_ =	task.clear_ibuf [dreg:s8], $0x5FFFF;
	_ =	strace $0x90000046  }
0xb3: {  	s29 =	simm.s32 $0x9;
	_ =	strace $0x80000048  }
0xb4: {  	_ =	swait.ge [sflag:s29], $0x1  }
0xb5: {  	[sflag:s29] =	ssyncadd.s32 $0xFFFFFFFF  }
0xb6: {  	_ =	strace $0x90000048  }
0xb7: {  	_ =	sfence  }
0xb8: {  	s30 =	sld [smem:$0x0];
	_ =	sdelay $0x2  }
0xb9: {  	s31 =	sshll.u32 s1, $0xD;
	s1 =	sshrl.u32 s1, $0x2  }
0xba: {  	s3 =	sand.u32 $0x4000, s31;
	s1 =	sadd.s32 s1, s30  }
0xbb: {  	s0 =	sor.u32 s3, s0;
	s1 =	sshll.u32 s1, $0x11  }
0xbc: {  	s0 =	sor.u32 s1, s0  }
0xbd: {  	s0 =	sadd.s32 $0x8F2B, s0  }
0xbe: {  	[sflag:s0] =	ssyncadd.remote.s32 $0x1  }
0xbf: {  	_ =	sfence.sel $0xFFFF  }
0xc0: {  	[dreg:$0x0] =	wrdreg $0xFFFFFFFF;
	(pc) =	sbr.abs _section_cstart, $3  }
0xc1: {  	[dreg:$0x1] =	wrdreg $0xFFFFFFFF  }
0xc2: {  	_ =	task.clear_ibuf [dreg:s8], $0x2FFFF;
	_ =	strace $0x9FFFFFFF  }
0xc3: {  	(tm) =	ssettm $0x7FFFFFFF  }
tec
execute0_lowered:
.L_overlay_start_1:
0x0: {  	(tag) =	ssettag $0x1  }
0x1: {  	s1 =	srdreg.scid  }
0x2: {  	s0 =	stileid.u32;
	s8 =	rddreg [dreg:$0x0]  }
0x3: {  	s2 =	rddreg [dreg:$0x1];
	s3 =	simm.s32 $0x0;
	s12 =	simm.s32 $0x2000  }
0x4: {  	s13 =	simm.s32 $0x1;
	s5 =	sand.u32 $0x1, s1;
	s31 =	sshll.u32 s0, $0x1  }
0x5: {  	s14 =	simm.s32 $0x4000;
	s15 =	simm.s32 $0x2;
	s1 =	sor.u32 s5, s31  }
0x6: {  	s16 =	simm.s32 $0x6000;
	s17 =	simm.s32 $0x3;
	s4 =	smul.u32 $0xF6, s1  }
0x7: {  	s18 =	simm.s32 $0x4;
	s19 =	simm.s32 $0x0;
	[smem:$0x7FF] =	sst s3  }
0x8: {  	s6 =	ssub.s32 $0x2, s5;
	s1 =	rddreg [dreg:$0x2];
	s4 =	smin.u32 s4, $0x1D8F  }
0x9: {  	v0 =	vlaneseq.u32;
	_ =	strace $0x80000047;
	s7 =	sshrl.u32 s6, $0x1;
	s5 =	sadd.s32 $0x7B, s4  }
0xa: {  	v0 =	vmul.u32 $0x80, v0;
	s11 =	ssub.s32 s6, s7;
	s9 =	sshll.u32 s4, $0x7;
	s10 =	sshll.u32 s5, $0x7  }
0xb: {  	s6 =	sadd.s32 s8, s9;
	s9 =	smax.u32 s11, $0x1;
	s11 =	simm.s32 $0x7A1400  }
0xc: {  	v1 =	vor.u32 $0x800, v0;
	v2 =	vor.u32 $0x1000, v0;
	v3 =	vor.u32 $0x1800, v0;
	s7 =	sadd.s32 s8, s10;
	s8 =	sadd.s32 $0x80, s8;
	s10 =	simm.s32 $0x400  }
.LBB2_1:
0xd: {  	[tilespmem:s3], [sflag:$0x1] =	stream.strided.gather [hbm4b:s6+s10], $0x2000, s11, s10, $0x38;
	[tilespmem:$0x8000] =	vst v63  }
0xe: {  	s20 =	simm.s32 $0x0  }
0xf: {  	[tilespmem:s12], [sflag:$0x2] =	stream.strided.gather [hbm4b:s7+s10], $0x2000, s11, s10, $0x38;
	[tilespmem:$0x8000] =	vst v63  }
.LBB2_2:
0x10: {  	s21 =	simm.s32 $0x0  }
0x11: {  	v4 =	vmov s21  }
0x12: {  	v4 =	vand.u32 $0x7E, v4  }
0x13: {  	v4 =	vbroadcast v4, $0x0  }
0x14: {  	_ =	swait.ge [sflag:s13], $0x2000  }
0x15: {  	p1 =	seq.s32 s20, $0x0;
	[sflag:s13] =	ssyncset.done $0x0;
	v5 =	vor.u32 v0, v4  }
0x16: {  	s21 =	simm.s32 @!p1 $0x3;
	[sflag:s13] =	ssyncadd.s32 $0xFFFFE000  }
0x17: {  	_ =	swait.ge @!p1 [sflag:s21], $0x2000  }
0x18: {  	[sflag:s21] =	ssyncset.done @!p1 $0x0  }
0x19: {  	[sflag:s21] =	ssyncadd.s32 @!p1 $0xFFFFE000  }
0x1a: {  	v5 =	vld.idx.msk [tilespmem:v5+s3+$0x0], $0xffff  }
0x1b: {  	v6 =	vor.u32 v1, v4;
	_ =	sdelay $0x2  }
0x1c: {  	s22 =	simm.s32 $0x4040  }
0x1d: {  	[tilespmem:s22+$0xFFFFFFC0] =	vst v5  }
0x1e: {  	v5 =	vld.idx.msk [tilespmem:v6+s3+$0x0], $0xffff  }
0x1f: {  	v6 =	vor.u32 v2, v4;
	_ =	sdelay $0x3  }
0x20: {  	[tilespmem:s22+$0xFFFFFFD0] =	vst v5  }
0x21: {  	v5 =	vld.idx.msk [tilespmem:v6+s3+$0x0], $0xffff  }
0x22: {  	v4 =	vor.u32 v3, v4  }
0x23: {  	s31 =	simm.s32 $0x1  }
0x24: {  	v6 =	vmov s31  }
0x25: {  	v6 =	vand.u32 $0x7F, v6  }
0x26: {  	v6 =	vbroadcast v6, $0x0;
	[tilespmem:s22+$0xFFFFFFE0] =	vst v5  }
0x27: {  	v4 =	vld.idx.msk [tilespmem:v4+s3+$0x0], $0xffff  }
0x28: {  	v5 =	vor.u32 v0, v6;
	_ =	sdelay $0x3  }
0x29: {  	[tilespmem:s22+$0xFFFFFFF0] =	vst v4  }
0x2a: {  	v4 =	vld.idx.msk [tilespmem:v5+s3+$0x0], $0xffff  }
0x2b: {  	v5 =	vor.u32 v1, v6;
	_ =	sdelay $0x3  }
0x2c: {  	[tilespmem:s22+$0x0] =	vst v4  }
0x2d: {  	v4 =	vld.idx.msk [tilespmem:v5+s3+$0x0], $0xffff  }
0x2e: {  	v5 =	vor.u32 v2, v6;
	_ =	sdelay $0x3  }
0x2f: {  	[tilespmem:s22+$0x10] =	vst v4  }
0x30: {  	v5 =	vld.idx.msk [tilespmem:v5+s3+$0x0], $0xffff  }
0x31: {  	v4 =	vor.u32 v3, v6;
	_ =	sdelay $0x1  }
0x32: {  	s23 =	simm.s32 $0x2  }
0x33: {  	s24 =	simm.s32 $0x4;
	s21 =	sadd.s32 s4, s20;
	v6 =	vmov s23  }
.LBB2_3:
0x34: {  	p0 =	sne.s32 s24, $0x7E;
	v6 =	vand.u32 $0x7E, v6;
	[tilespmem:s22+$0x20] =	vst v5  }
0x35: {  	v5 =	vbroadcast v6, $0x0;
	v4 =	vld.idx.msk [tilespmem:v4+s3+$0x0], $0xffff;
	_ =	sdelay $0x1  }
0x36: {  	v6 =	vor.u32 v0, v5;
	_ =	sdelay $0x3  }
0x37: {  	[tilespmem:s22+$0x30] =	vst v4  }
0x38: {  	v4 =	vld.idx.msk [tilespmem:v6+s3+$0x0], $0xffff;
	_ =	sdelay $0x1  }
0x39: {  	v6 =	vor.u32 v1, v5;
	_ =	sdelay $0x2  }
0x3a: {  	s22 =	sadd.s32 $0x80, s22  }
0x3b: {  	[tilespmem:s22+$0xFFFFFFC0] =	vst v4  }
0x3c: {  	v4 =	vld.idx.msk [tilespmem:v6+s3+$0x0], $0xffff;
	_ =	sdelay $0x1  }
0x3d: {  	v6 =	vor.u32 v2, v5;
	_ =	sdelay $0x3  }
0x3e: {  	[tilespmem:s22+$0xFFFFFFD0] =	vst v4  }
0x3f: {  	v4 =	vld.idx.msk [tilespmem:v6+s3+$0x0], $0xffff;
	_ =	sdelay $0x1  }
0x40: {  	v5 =	vor.u32 v3, v5;
	_ =	sdelay $0x1  }
0x41: {  	s25 =	sadd.s32 $0x1, s23;
	s23 =	smov.u32 s24  }
0x42: {  	v6 =	vmov s25  }
0x43: {  	[tilespmem:s22+$0xFFFFFFE0] =	vst v4;
	v4 =	vand.u32 $0x7F, v6  }
0x44: {  	v5 =	vld.idx.msk [tilespmem:v5+s3+$0x0], $0xffff;
	v4 =	vbroadcast v4, $0x0;
	_ =	sdelay $0x1  }
0x45: {  	v6 =	vor.u32 v0, v4;
	_ =	sdelay $0x3  }
0x46: {  	[tilespmem:s22+$0xFFFFFFF0] =	vst v5  }
0x47: {  	v5 =	vld.idx.msk [tilespmem:v6+s3+$0x0], $0xffff;
	_ =	sdelay $0x1  }
0x48: {  	v6 =	vor.u32 v1, v4;
	_ =	sdelay $0x3  }
0x49: {  	[tilespmem:s22+$0x0] =	vst v5  }
0x4a: {  	v5 =	vld.idx.msk [tilespmem:v6+s3+$0x0], $0xffff;
	_ =	sdelay $0x1  }
0x4b: {  	v6 =	vor.u32 v2, v4;
	_ =	sdelay $0x3  }
0x4c: {  	[tilespmem:s22+$0x10] =	vst v5  }
0x4d: {  	v5 =	vld.idx.msk [tilespmem:v6+s3+$0x0], $0xffff  }
.Ltmp0:
0x4e: {  	(pc) =	sbr.rel @p0 .LBB2_3-.Ltmp0, $2  }
0x4f: {  	v4 =	vor.u32 v3, v4;
	_ =	sdelay $0x2  }
0x50: {  	s24 =	sadd.s32 $0x2, s24;
	v6 =	vmov s23  }
0x51: {  	_ =	sdelay $0x1  }
0x52: {  	v6 =	vand.u32 $0x7E, v6  }
0x53: {  	[tilespmem:s22+$0x20] =	vst v5;
	v5 =	vbroadcast v6, $0x0  }
0x54: {  	v4 =	vld.idx.msk [tilespmem:v4+s3+$0x0], $0xffff  }
0x55: {  	v6 =	vor.u32 v0, v5;
	_ =	sdelay $0x3  }
0x56: {  	[tilespmem:s22+$0x30] =	vst v4  }
0x57: {  	v4 =	vld.idx.msk [tilespmem:v6+s3+$0x0], $0xffff  }
0x58: {  	v6 =	vor.u32 v1, v5;
	_ =	sdelay $0x2  }
0x59: {  	s26 =	sadd.s32 $0x80, s22  }
0x5a: {  	[tilespmem:s26+$0xFFFFFFC0] =	vst v4  }
0x5b: {  	v4 =	vld.idx.msk [tilespmem:v6+s3+$0x0], $0xffff  }
0x5c: {  	v6 =	vor.u32 v2, v5;
	_ =	sdelay $0x3  }
0x5d: {  	[tilespmem:s26+$0xFFFFFFD0] =	vst v4  }
0x5e: {  	v4 =	vld.idx.msk [tilespmem:v6+s3+$0x0], $0xffff  }
0x5f: {  	v5 =	vor.u32 v3, v5  }
0x60: {  	s23 =	sadd.s32 $0x1, s23  }
0x61: {  	v6 =	vmov s23  }
0x62: {  	v6 =	vand.u32 $0x7F, v6  }
0x63: {  	[tilespmem:s26+$0xFFFFFFE0] =	vst v4;
	v4 =	vbroadcast v6, $0x0  }
0x64: {  	v5 =	vld.idx.msk [tilespmem:v5+s3+$0x0], $0xffff  }
0x65: {  	v6 =	vor.u32 v0, v4;
	_ =	sdelay $0x3  }
0x66: {  	[tilespmem:s26+$0xFFFFFFF0] =	vst v5  }
0x67: {  	v5 =	vld.idx.msk [tilespmem:v6+s3+$0x0], $0xffff  }
0x68: {  	v6 =	vor.u32 v1, v4;
	_ =	sdelay $0x3  }
0x69: {  	[tilespmem:s26+$0x0] =	vst v5  }
0x6a: {  	v5 =	vld.idx.msk [tilespmem:v6+s3+$0x0], $0xffff  }
0x6b: {  	v6 =	vor.u32 v2, v4;
	_ =	sdelay $0x3  }
0x6c: {  	[tilespmem:s26+$0x10] =	vst v5  }
0x6d: {  	v5 =	vld.idx.msk [tilespmem:v6+s3+$0x0], $0xffff  }
0x6e: {  	v4 =	vor.u32 v3, v4;
	_ =	sdelay $0x3  }
0x6f: {  	[tilespmem:s26+$0x20] =	vst v5  }
0x70: {  	v4 =	vld.idx.msk [tilespmem:v4+s3+$0x0], $0xffff;
	_ =	sdelay $0x3  }
0x71: {  	s28 =	sshll.u32 s21, $0xA;
	p0 =	seq.s32 s20, $0x7A;
	s30 =	simm.s32 $0x0  }
0x72: {  	s29 =	sadd.s32 s2, s28;
	s21 =	sshll.u32 @!p0 s21, $0x7;
	s24 =	simm.s32 @!p0 $0x0;
	[tilespmem:s26+$0x30] =	vst v4  }
0x73: {  	v4 =	vmov s30;
	[hbm4b:s29+s3] =	stream.linear.scatter [tilespmem:s14], [sflag:$0x3], $0x2000, $0x38;
	[tilespmem:$0x8000] =	vst v63  }
0x74: {  	s21 =	sadd.s32 @!p0 s21, s8;
	s22 =	simm.s32 @!p0 $0x400;
	s23 =	simm.s32 @!p0 $0x7A1400;
	v4 =	vand.u32 $0x7E, v4  }
0x75: {  	v4 =	vbroadcast v4, $0x0;
	[tilespmem:s24], [sflag:$0x1] =	stream.strided.gather @!p0 [hbm4b:s21+s22], $0x2000, s23, s22, $0x38;
	[tilespmem:$0x8000] =	vst v63  }
0x76: {  	_ =	swait.ge [sflag:s15], $0x2000  }
0x77: {  	v5 =	vor.u32 v0, v4;
	[sflag:s15] =	ssyncset.done $0x0  }
0x78: {  	s21 =	simm.s32 @!p1 $0x4;
	[sflag:s15] =	ssyncadd.s32 $0xFFFFE000  }
0x79: {  	_ =	swait.ge @!p1 [sflag:s21], $0x2000  }
0x7a: {  	[sflag:s21] =	ssyncset.done @!p1 $0x0  }
0x7b: {  	[sflag:s21] =	ssyncadd.s32 @!p1 $0xFFFFE000  }
0x7c: {  	v5 =	vld.idx.msk [tilespmem:v5+s12+$0x0], $0xffff  }
0x7d: {  	v6 =	vor.u32 v1, v4;
	_ =	sdelay $0x2  }
0x7e: {  	s22 =	simm.s32 $0x6040  }
0x7f: {  	[tilespmem:s22+$0xFFFFFFC0] =	vst v5  }
0x80: {  	v5 =	vld.idx.msk [tilespmem:v6+s12+$0x0], $0xffff  }
0x81: {  	v6 =	vor.u32 v2, v4;
	_ =	sdelay $0x3  }
0x82: {  	[tilespmem:s22+$0xFFFFFFD0] =	vst v5  }
0x83: {  	v5 =	vld.idx.msk [tilespmem:v6+s12+$0x0], $0xffff  }
0x84: {  	v4 =	vor.u32 v3, v4  }
0x85: {  	s31 =	simm.s32 $0x1  }
0x86: {  	v6 =	vmov s31  }
0x87: {  	v6 =	vand.u32 $0x7F, v6  }
0x88: {  	v6 =	vbroadcast v6, $0x0;
	[tilespmem:s22+$0xFFFFFFE0] =	vst v5  }
0x89: {  	v4 =	vld.idx.msk [tilespmem:v4+s12+$0x0], $0xffff  }
0x8a: {  	v5 =	vor.u32 v0, v6;
	_ =	sdelay $0x3  }
0x8b: {  	[tilespmem:s22+$0xFFFFFFF0] =	vst v4  }
0x8c: {  	v4 =	vld.idx.msk [tilespmem:v5+s12+$0x0], $0xffff  }
0x8d: {  	v5 =	vor.u32 v1, v6;
	_ =	sdelay $0x3  }
0x8e: {  	[tilespmem:s22+$0x0] =	vst v4  }
0x8f: {  	v4 =	vld.idx.msk [tilespmem:v5+s12+$0x0], $0xffff  }
0x90: {  	v5 =	vor.u32 v2, v6;
	_ =	sdelay $0x3  }
0x91: {  	[tilespmem:s22+$0x10] =	vst v4  }
0x92: {  	v5 =	vld.idx.msk [tilespmem:v5+s12+$0x0], $0xffff  }
0x93: {  	v4 =	vor.u32 v3, v6;
	_ =	sdelay $0x1  }
0x94: {  	s23 =	simm.s32 $0x2  }
0x95: {  	s24 =	simm.s32 $0x4;
	s21 =	sadd.s32 $0x1, s20;
	s20 =	sadd.s32 s5, s20;
	v6 =	vmov s23  }
.LBB2_5:
0x96: {  	p1 =	sne.s32 s24, $0x7E;
	v6 =	vand.u32 $0x7E, v6;
	[tilespmem:s22+$0x20] =	vst v5  }
0x97: {  	v5 =	vbroadcast v6, $0x0;
	v4 =	vld.idx.msk [tilespmem:v4+s12+$0x0], $0xffff;
	_ =	sdelay $0x1  }
0x98: {  	v6 =	vor.u32 v0, v5;
	_ =	sdelay $0x3  }
0x99: {  	[tilespmem:s22+$0x30] =	vst v4  }
0x9a: {  	v4 =	vld.idx.msk [tilespmem:v6+s12+$0x0], $0xffff;
	_ =	sdelay $0x1  }
0x9b: {  	v6 =	vor.u32 v1, v5;
	_ =	sdelay $0x2  }
0x9c: {  	s22 =	sadd.s32 $0x80, s22  }
0x9d: {  	[tilespmem:s22+$0xFFFFFFC0] =	vst v4  }
0x9e: {  	v4 =	vld.idx.msk [tilespmem:v6+s12+$0x0], $0xffff;
	_ =	sdelay $0x1  }
0x9f: {  	v6 =	vor.u32 v2, v5;
	_ =	sdelay $0x3  }
0xa0: {  	[tilespmem:s22+$0xFFFFFFD0] =	vst v4  }
0xa1: {  	v4 =	vld.idx.msk [tilespmem:v6+s12+$0x0], $0xffff;
	_ =	sdelay $0x1  }
0xa2: {  	v5 =	vor.u32 v3, v5;
	_ =	sdelay $0x1  }
0xa3: {  	s25 =	sadd.s32 $0x1, s23;
	s23 =	smov.u32 s24  }
0xa4: {  	v6 =	vmov s25  }
0xa5: {  	[tilespmem:s22+$0xFFFFFFE0] =	vst v4;
	v4 =	vand.u32 $0x7F, v6  }
0xa6: {  	v5 =	vld.idx.msk [tilespmem:v5+s12+$0x0], $0xffff;
	v4 =	vbroadcast v4, $0x0;
	_ =	sdelay $0x1  }
0xa7: {  	v6 =	vor.u32 v0, v4;
	_ =	sdelay $0x3  }
0xa8: {  	[tilespmem:s22+$0xFFFFFFF0] =	vst v5  }
0xa9: {  	v5 =	vld.idx.msk [tilespmem:v6+s12+$0x0], $0xffff;
	_ =	sdelay $0x1  }
0xaa: {  	v6 =	vor.u32 v1, v4;
	_ =	sdelay $0x3  }
0xab: {  	[tilespmem:s22+$0x0] =	vst v5  }
0xac: {  	v5 =	vld.idx.msk [tilespmem:v6+s12+$0x0], $0xffff;
	_ =	sdelay $0x1  }
0xad: {  	v6 =	vor.u32 v2, v4;
	_ =	sdelay $0x3  }
0xae: {  	[tilespmem:s22+$0x10] =	vst v5  }
0xaf: {  	v5 =	vld.idx.msk [tilespmem:v6+s12+$0x0], $0xffff  }
.Ltmp1:
0xb0: {  	(pc) =	sbr.rel @p1 .LBB2_5-.Ltmp1, $2  }
0xb1: {  	v4 =	vor.u32 v3, v4;
	_ =	sdelay $0x2  }
0xb2: {  	s24 =	sadd.s32 $0x2, s24;
	v6 =	vmov s23  }
0xb3: {  	_ =	sdelay $0x1  }
0xb4: {  	v6 =	vand.u32 $0x7E, v6  }
0xb5: {  	[tilespmem:s22+$0x20] =	vst v5;
	v5 =	vbroadcast v6, $0x0  }
0xb6: {  	v4 =	vld.idx.msk [tilespmem:v4+s12+$0x0], $0xffff  }
0xb7: {  	v6 =	vor.u32 v0, v5;
	_ =	sdelay $0x3  }
0xb8: {  	[tilespmem:s22+$0x30] =	vst v4  }
0xb9: {  	v4 =	vld.idx.msk [tilespmem:v6+s12+$0x0], $0xffff  }
0xba: {  	v59 =	vor.u32 v1, v5;
	_ =	sdelay $0x2  }
0xbb: {  	s29 =	sadd.s32 $0x80, s22  }
0xbc: {  	[tilespmem:s29+$0xFFFFFFC0] =	vst v4  }
0xbd: {  	v4 =	vld.idx.msk [tilespmem:v59+s12+$0x0], $0xffff  }
0xbe: {  	v60 =	vor.u32 v2, v5;
	_ =	sdelay $0x3  }
0xbf: {  	[tilespmem:s29+$0xFFFFFFD0] =	vst v4  }
0xc0: {  	v4 =	vld.idx.msk [tilespmem:v60+s12+$0x0], $0xffff  }
0xc1: {  	v5 =	vor.u32 v3, v5  }
0xc2: {  	s23 =	sadd.s32 $0x1, s23  }
0xc3: {  	v61 =	vmov s23  }
0xc4: {  	v6 =	vand.u32 $0x7F, v61  }
0xc5: {  	[tilespmem:s29+$0xFFFFFFE0] =	vst v4;
	v4 =	vbroadcast v6, $0x0  }
0xc6: {  	v5 =	vld.idx.msk [tilespmem:v5+s12+$0x0], $0xffff  }
0xc7: {  	v6 =	vor.u32 v0, v4;
	_ =	sdelay $0x3  }
0xc8: {  	[tilespmem:s29+$0xFFFFFFF0] =	vst v5  }
0xc9: {  	v5 =	vld.idx.msk [tilespmem:v6+s12+$0x0], $0xffff  }
0xca: {  	v62 =	vor.u32 v1, v4;
	_ =	sdelay $0x3  }
0xcb: {  	[tilespmem:s29+$0x0] =	vst v5  }
0xcc: {  	v5 =	vld.idx.msk [tilespmem:v62+s12+$0x0], $0xffff  }
0xcd: {  	v63 =	vor.u32 v2, v4;
	_ =	sdelay $0x3  }
0xce: {  	[tilespmem:s29+$0x10] =	vst v5  }
0xcf: {  	v5 =	vld.idx.msk [tilespmem:v63+s12+$0x0], $0xffff  }
0xd0: {  	v4 =	vor.u32 v3, v4;
	_ =	sdelay $0x3  }
0xd1: {  	[tilespmem:s29+$0x20] =	vst v5  }
0xd2: {  	v4 =	vld.idx.msk [tilespmem:v4+s12+$0x0], $0xffff;
	_ =	sdelay $0x3  }
0xd3: {  	s30 =	sshll.u32 s20, $0xA;
	s20 =	sshll.u32 @!p0 s20, $0x7  }
0xd4: {  	s24 =	simm.s32 @!p0 $0x2000;
	p1 =	sne.s32 @!p0 s21, $0x7B;
	s31 =	sadd.s32 s2, s30;
	[tilespmem:s29+$0x30] =	vst v4  }
0xd5: {  	[hbm4b:s31+s3] =	stream.linear.scatter [tilespmem:s16], [sflag:$0x4], $0x2000, $0x38;
	[tilespmem:$0x8000] =	vst v63  }
0xd6: {  	s20 =	sadd.s32 @!p0 s20, s8;
	s23 =	simm.s32 @!p0 $0x7A1400;
	s22 =	simm.s32 @!p0 $0x400  }
0xd7: {  	[tilespmem:s24], [sflag:$0x2] =	stream.strided.gather @!p0 [hbm4b:s20+s22], $0x2000, s23, s22, $0x38;
	[tilespmem:$0x8000] =	vst v63  }
0xd8: {  	p0 =	por p0, !p1  }
.Ltmp2:
0xd9: {  	_ = 	snop;
	(pc) =	sbr.rel @!p0 .LBB2_2-.Ltmp2, $2  }
0xda: {  	_ =	sdelay $0x2  }
0xdb: {  	s20 =	smov.u32 s21  }
0xdc: {  	s19 =	sadd.s32 $0x1, s19  }
0xdd: {  	_ =	swait.ge [sflag:s17], $0x2000;
	p0 =	sne.s32 s19, s9  }
.Ltmp3:
0xde: {  	[sflag:s17] =	ssyncset.done $0x0;
	(pc) =	sbr.rel @p0 .LBB2_1-.Ltmp3, $4  }
0xdf: {  	[sflag:s17] =	ssyncadd.s32 $0xFFFFE000  }
0xe0: {  	_ =	swait.ge [sflag:s18], $0x2000  }
0xe1: {  	[sflag:s18] =	ssyncset.done $0x0  }
0xe2: {  	[sflag:s18] =	ssyncadd.s32 $0xFFFFE000  }
0xe3: {  	_ =	sfence.sel $0x180000  }
0xe4: {  	[bflag:$0x0] =	sbarrier.arrive $0xFFFF  }
0xe5: {  	p0 =	sne.s32 s0, $0x0;
	_ =	strace $0x90000047  }
0xe6: {  	s0 =	sadd.s32 @!p0 $0x100000, s1;
	[bflag:$0x2] =	sbarrier.arrive $0xFFFF  }
0xe7: {  	[sflag:s0] =	ssyncadd.tile.s32 @!p0 $0x1;
	_ =	shalt  }
.Lfunc_end2:
_tile_overlayer_lowered:
.L_overlay_start_2:
0xe8: {  	(tag) =	ssettag $0x2  }
0xe9: {  	s0 =	rddreg [dreg:$0x0];
	s2 =	stileid.u32  }
0xea: {  	s1 =	rddreg [dreg:$0x1];
	p0 =	sne.s32 s2, $0x0  }
0xeb: {  	s3 =	rddreg [dreg:$0x2];
	[bflag:$0x3] =	sbarrier.arrive $0xFFFF;
	s2 =	simm.s32 @!p0 $0x1C05  }
0xec: {  	[timem:s3], [sflag:s2] =	dma.local @!p0 [hbm:s0], s1  }
0xed: {  	s0 =	simm.s32 @!p0 $0x5  }
0xee: {  	_ =	swait.ge @!p0 [sflag:s0], s1  }
0xef: {  	s1 =	ssub.s32 @!p0 $0x0, s1;
	[sflag:s0] =	ssyncset.done @!p0 $0x0  }
0xf0: {  	[sflag:s0] =	ssyncadd.s32 @!p0 s1  }
0xf1: {  	[bflag:$0x3] =	sbarrier.arrive $0xFFFF  }
0xf2: {  	_ =	shalt  }

</sc_bundles>
